<compile_context>
chip_gen: v7x
topology: tpu7x:2x2x1
jax: 0.10.2.dev20260603
libtpu: 0.0.44.dev20260713+nightly
codegen_flags: <defaults>
</compile_context>

<pallas_src>
import jax
import jax.numpy as jnp
from jax import lax
from jax.experimental import pallas as pl
from jax.experimental.pallas import tpu as pltpu
from jax.experimental.pallas import tpu_sc as plsc

N = 10000
C = 128
E = 320000
MU = 0.01

NC, NS, L = 2, 16, 16
NW = NC * NS
K = 128
CPW = 80
NCH_PAD = CPW * NW
EP = NCH_PAD * K
NPAD = 10240
NSLICE = NPAD // NS
W2 = C // 2


def _f32bits(x):
    return lax.bitcast_convert_type(x, jnp.int32)


def _bitsf32(x):
    return lax.bitcast_convert_type(x, jnp.float32)


def _rtne_word(lo, hi):
    ul = _f32bits(lo)
    uh = _f32bits(hi)
    bl = lax.shift_right_logical(
        ul + jnp.int32(0x7FFF) + lax.bitwise_and(
            lax.shift_right_logical(ul, 16), jnp.int32(1)), 16)
    bh = lax.bitwise_and(
        uh + jnp.int32(0x7FFF) + lax.bitwise_and(
            lax.shift_right_logical(uh, 16), jnp.int32(1)),
        jnp.int32(-65536))
    return lax.bitwise_or(lax.bitwise_and(bl, jnp.int32(0xFFFF)), bh)


def _degree_body(rc_hbm, deg_out, idx_all, ones_v, slice_v, deg_sh, dsem):
    c = lax.axis_index("c")
    s = lax.axis_index("s")
    w = s * NC + c

    def zb(k, carry):
        slice_v[pl.ds(k * L, L)] = jnp.zeros((L,), jnp.float32)
        return carry

    lax.fori_loop(0, NSLICE // L, zb, 0)
    pltpu.sync_copy(slice_v, deg_sh.at[pl.ds(s * NSLICE, NSLICE)])
    for t in range(K // L):
        ones_v[pl.ds(t * L, L)] = jnp.ones((L,), jnp.float32)
    pltpu.sync_copy(rc_hbm.at[pl.ds(w * CPW, CPW)], idx_all)
    rmask = jnp.int32(0x3FFF)

    def unpack_rows(j, carry):
        for t in range(K // L):
            idx_all[j, pl.ds(t * L, L)] = lax.bitwise_and(
                idx_all[j, pl.ds(t * L, L)], rmask)
        return carry

    lax.fori_loop(0, CPW, unpack_rows, 0)
    plsc.subcore_barrier()

    GK = 8

    def group(gi, carry):
        def fire1(k, carry2):
            pltpu.async_copy(ones_v, deg_sh.at[idx_all.at[gi * GK + k]],
                             dsem, add=True)
            return carry2

        lax.fori_loop(0, GK, fire1, 0)

        def drain1(k, carry2):
            pltpu.make_async_copy(ones_v, deg_sh.at[idx_all.at[0]], dsem).wait()
            return carry2

        lax.fori_loop(0, GK, drain1, 0)
        return carry

    lax.fori_loop(0, CPW // GK, group, 0)
    plsc.subcore_barrier()
    pltpu.sync_copy(deg_sh.at[pl.ds(s * NSLICE, NSLICE)], slice_v)
    pltpu.sync_copy(slice_v, deg_out.at[c, pl.ds(s * NSLICE, NSLICE)])


def _degree_call(rc2d):
    return pl.kernel(
        _degree_body,
        out_type=jax.ShapeDtypeStruct((NC, NPAD), jnp.float32),
        mesh=plsc.VectorSubcoreMesh(core_axis_name="c", subcore_axis_name="s"),
        compiler_params=pltpu.CompilerParams(use_tc_tiling_on_sc=False),
        scratch_types=[
            pltpu.VMEM((CPW, K), jnp.int32),
            pltpu.VMEM((K,), jnp.float32),
            pltpu.VMEM((NSLICE,), jnp.float32),
            pltpu.VMEM_SHARED((NPAD,), jnp.float32),
            pltpu.SemaphoreType.DMA,
        ],
    )(rc2d)


def _scale_body(out_ref, t_ref, m_ref, degp_ref, ow_ref, sup_ref):
    deg = degp_ref[0] + degp_ref[1]
    inv = lax.rsqrt(deg)
    a = out_ref[...] * inv[0:N]
    ow_ref[0:N, :] = _rtne_word(a[:, 0:W2], a[:, W2:C])
    ow_ref[N:NPAD, :] = jnp.zeros((NPAD - N, W2), jnp.int32)
    iota = lax.broadcasted_iota(jnp.int32, (N, C), 1)
    onehot = (iota == t_ref[...]).astype(jnp.float32)
    sup_sum = jnp.sum(onehot * m_ref[...] * (-out_ref[...]))
    msum = jnp.sum(m_ref[...])
    sup_ref[...] = jnp.reshape(sup_sum / jnp.maximum(msum, 1.0), (1, 1))


def _scale_call(output, t2d, m2d, degp3):
    return pl.pallas_call(
        _scale_body,
        out_shape=(
            jax.ShapeDtypeStruct((NPAD, W2), jnp.int32),
            jax.ShapeDtypeStruct((1, 1), jnp.float32),
        ),
    )(output, t2d, m2d, degp3)


def _edge_body(ow_hbm, rc_hbm, part_out,
               idxb, accv, bufr0, bufc0, bufr1, bufc1,
               semr0, semc0, semr1, semc1):
    c = lax.axis_index("c")
    s = lax.axis_index("s")
    w = s * NC + c
    pltpu.sync_copy(rc_hbm.at[pl.ds(w * CPW, CPW)], idxb.at[pl.ds(0, CPW)])
    rmask = jnp.int32(0x3FFF)

    def eunpack(j, carry):
        for t in range(K // L):
            rc = idxb[j, pl.ds(t * L, L)]
            idxb[CPW + j, pl.ds(t * L, L)] = lax.shift_right_logical(rc, 14)
            idxb[j, pl.ds(t * L, L)] = lax.bitwise_and(rc, rmask)
        return carry

    lax.fori_loop(0, CPW, eunpack, 0)
    zero = jnp.zeros((L,), jnp.float32)
    slots = ((bufr0, bufc0, semr0, semc0), (bufr1, bufc1, semr1, semc1))

    def fire(j, slot):
        br, bc, sr, sc_ = slot
        pltpu.async_copy(ow_hbm.at[idxb.at[j]], br, sr)
        pltpu.async_copy(ow_hbm.at[idxb.at[CPW + j]], bc, sc_)

    def drain(slot):
        br, bc, sr, sc_ = slot
        pltpu.make_async_copy(ow_hbm.at[idxb.at[0]], br, sr).wait()
        pltpu.make_async_copy(ow_hbm.at[idxb.at[0]], bc, sc_).wait()

    def compute(slot, accs):
        br, bc, _, _ = slot

        def one_edge(e, new):
            for t in range(W2 // L):
                rw = br[e, pl.ds(t * L, L)]
                cw = bc[e, pl.ds(t * L, L)]
                r_lo = _bitsf32(lax.shift_left(rw, 16))
                c_lo = _bitsf32(lax.shift_left(cw, 16))
                r_hi = _bitsf32(rw)
                c_hi = _bitsf32(cw)
                d0 = r_lo - c_lo
                d1 = r_hi - c_hi
                new[2 * t] = new[2 * t] + d0 * d0
                new[2 * t + 1] = new[2 * t + 1] + d1 * d1
            return new

        def edge2(e2, accs):
            new = list(accs)
            new = one_edge(2 * e2, new)
            new = one_edge(2 * e2 + 1, new)
            return tuple(new)

        return lax.fori_loop(0, K // 2, edge2, accs)

    fire(0, slots[0])

    def body(j2, accs):
        j = 2 * j2
        fire(j + 1, slots[1])
        drain(slots[0])
        accs = compute(slots[0], accs)

        @pl.when(j2 < CPW // 2 - 1)
        def _():
            fire(j + 2, slots[0])

        drain(slots[1])
        return compute(slots[1], accs)

    accs = lax.fori_loop(0, CPW // 2, body, (zero,) * (C // L))
    for t in range(C // L):
        accv[pl.ds(t * L, L)] = accs[t]
    pltpu.sync_copy(accv, part_out.at[w])


def _edge_call(ow, rc2d):
    return pl.kernel(
        _edge_body,
        out_type=jax.ShapeDtypeStruct((NW, K), jnp.float32),
        mesh=plsc.VectorSubcoreMesh(core_axis_name="c", subcore_axis_name="s"),
        compiler_params=pltpu.CompilerParams(use_tc_tiling_on_sc=False),
        scratch_types=[
            pltpu.VMEM((2 * CPW, K), jnp.int32),
            pltpu.VMEM((C,), jnp.float32),
            pltpu.VMEM((K, W2), jnp.int32),
            pltpu.VMEM((K, W2), jnp.int32),
            pltpu.VMEM((K, W2), jnp.int32),
            pltpu.VMEM((K, W2), jnp.int32),
            pltpu.SemaphoreType.DMA,
            pltpu.SemaphoreType.DMA,
            pltpu.SemaphoreType.DMA,
            pltpu.SemaphoreType.DMA,
        ],
    )(ow, rc2d)


def _combine_body(part_ref, sup_ref, loss_ref):
    smooth = jnp.sum(part_ref[...]) / float(E * C)
    loss_ref[...] = sup_ref[...] + MU * jnp.reshape(smooth, (1, 1))


def _combine_call(parts, sup):
    return pl.pallas_call(
        _combine_body,
        out_shape=jax.ShapeDtypeStruct((1, 1), jnp.float32),
    )(parts, sup)


def kernel(output, target, train_mask, edge_index, x):
    output = output.astype(jnp.float32)
    row = edge_index[0].astype(jnp.int32)
    col = edge_index[1].astype(jnp.int32)
    npad_e = EP - E
    pad_ids = N + (jnp.arange(npad_e, dtype=jnp.int32) % (NPAD - N))
    row_p = jnp.concatenate([row, pad_ids])
    col_p = jnp.concatenate([col, pad_ids])
    rc2d = (row_p | (col_p << 14)).reshape(NCH_PAD, K)
    t2d = target.astype(jnp.int32).reshape(N, 1)
    m2d = train_mask.astype(jnp.float32).reshape(N, 1)

    deg_parts = _degree_call(rc2d)
    degp3 = deg_parts.reshape(NC, NPAD, 1)
    ow, sup = _scale_call(output, t2d, m2d, degp3)
    parts = _edge_call(ow, rc2d)
    loss = _combine_call(parts, sup)
    return loss.reshape(())

# --- scband reference (transcript-rebuilt; emitter-appended) ---
"""Pipeline reference for scband-graph-loss-81518479278789 (READ-ONLY COPY).

The authoritative reference and input builder live on the scoring server;
editing this copy changes nothing except your own understanding.
"""

import jax, jax.numpy as jnp
import numpy as np

N = 10000
C = 128
E = 320000
MU = 0.01


def setup_inputs(seed: int = 0) -> dict:
    key = jax.random.key(seed)
    k1, k2, k3, k4, k5 = jax.random.split(key, 5)
    output = jax.random.normal(k1, (N, C), dtype=jnp.float32)
    target = jax.random.randint(k2, (N,), 0, C, dtype=jnp.int64)
    train_mask = jax.random.randint(k3, (N,), 0, 2).astype(jnp.bool_)
    edge_index = jax.random.randint(k4, (2, E), 0, N, dtype=jnp.int64)
    x = jax.random.normal(k5, (N, C), dtype=jnp.float32)
    return {"output": output, "target": target, "train_mask": train_mask, "edge_index": edge_index, "x": x}


def reference(output, target, train_mask, edge_index, x):
    num_nodes = x.shape[0]
    # supervised NLL loss over the train mask (F.nll_loss on log-probs)
    picked = -jnp.take_along_axis(output, target[:, None], axis=1)[:, 0]
    denom = jnp.maximum(jnp.sum(train_mask.astype(jnp.float32)), 1.0)
    supervised_loss = jnp.sum(jnp.where(train_mask, picked, 0.0)) / denom
    # graph smoothness regularizer
    row = edge_index[0]
    col = edge_index[1]
    node_degrees = jnp.bincount(row, length=num_nodes).astype(output.dtype)
    out_norm = output / jnp.sqrt(node_degrees)[:, None]
    diff = out_norm[row] - out_norm[col]
    smoothness_loss = jnp.mean(diff ** 2)
    loss = supervised_loss + MU * smoothness_loss
    return loss

if __name__ == "__main__":
    import jax
    _d = setup_inputs()
    print(jax.jit(kernel)(*tuple(_d.values())))

</pallas_src>

<mosaic_0001>
#map = affine_map<(d0, d1) -> (0, 0)>
module attributes {stable_mosaic.version = 14 : i64} {
  func.func @_degree_body(%arg0: i32, %arg1: i32, %arg2: memref<2560x128xi32, #tpu.memory_space<hbm>>, %arg3: memref<2x10240xf32, #tpu.memory_space<hbm>>, %arg4: memref<80x128xi32, #tpu.memory_space<vmem>>, %arg5: memref<128xf32, #tpu.memory_space<vmem>>, %arg6: memref<640xf32, #tpu.memory_space<vmem>>, %arg7: memref<10240xf32, #tpu.memory_space<vmem_shared>>, %arg8: memref<!tpu.dma_semaphore, #tpu.memory_space<semaphore_mem>>) attributes {dimension_semantics = [#tpu.dimension_semantics<core_parallel>, #tpu.dimension_semantics<subcore_parallel>], iteration_bounds = array<i64: 2, 16>, scalar_prefetch = 0 : i64, scratch_operands = 5 : i64, tpu.core_type = #tpu.core_type<sc_vector_subcore>, window_params = [{transform_indices = #map}, {transform_indices = #map}]} {
    %mul3A = arith.constant 2 : i32
    %mul3A_0 = arith.muli %arg1, %mul3A : i32
    %add3A = arith.addi %mul3A_0, %arg0 : i32
    %scan3A = arith.constant 0 : i32
    %scan3A_1 = arith.constant 0 : i32
    %scan3A_2 = arith.constant 40 : i32
    %scan3A_3 = arith.addi %scan3A_1, %scan3A_2 : i32
    %scan3A_4 = arith.constant 1 : i32
    scf.for %scan3A_74 = %scan3A_1 to %scan3A_3 step %scan3A_4  : i32 {
      %broadcast_in_dim3A_75 = arith.constant 0.000000e+00 : f32
      %broadcast_in_dim3A_76 = vector.broadcast %broadcast_in_dim3A_75 : f32 to vector<16xf32>
      %mul3A_77 = arith.constant 16 : i32
      %mul3A_78 = arith.muli %scan3A_74, %mul3A_77 : i32
      %swap3A_79 = arith.index_cast %mul3A_78 : i32 to index
      %swap3A_80 = tpu.vector_load %arg6[%swap3A_79] {strides = array<i32>} : memref<640xf32, #tpu.memory_space<vmem>>, vector<16xf32>,
      %swap3A_81 = vector.shape_cast %swap3A_80 : vector<16xf32> to vector<16xf32>
      %swap3A_82 = vector.shape_cast %broadcast_in_dim3A_76 : vector<16xf32> to vector<16xf32>
      tpu.vector_store %arg6[%swap3A_79], %swap3A_82 {strides = array<i32>} : memref<640xf32, #tpu.memory_space<vmem>>, vector<16xf32>,
    }
    %scan3A_5 = arith.constant 40 : i32
    %mul3A_6 = arith.constant 640 : i32
    %mul3A_7 = arith.muli %arg1, %mul3A_6 : i32
    "tpu.region"() ({
      %run_scoped3A = tpu.sem_alloc : memref<!tpu.dma_semaphore, #tpu.memory_space<semaphore_mem>>
      %dma_start3A = tpu.memref_slice %arg7[%mul3A_7] : memref<10240xf32, #tpu.memory_space<vmem_shared>> -> memref<640xf32, #tpu.memory_space<vmem_shared>>
      %dma_start3A_74 = tpu.memref_slice %arg7[%mul3A_7] : memref<10240xf32, #tpu.memory_space<vmem_shared>> -> memref<640xf32, #tpu.memory_space<vmem_shared>>
      tpu.enqueue_dma source(%arg6 : memref<640xf32, #tpu.memory_space<vmem>>) target(%dma_start3A_74 : memref<640xf32, #tpu.memory_space<vmem_shared>>) target_semaphore(%run_scoped3A : memref<!tpu.dma_semaphore, #tpu.memory_space<semaphore_mem>>)
      %dma_wait3A = tpu.memref_slice %arg7[%mul3A_7] : memref<10240xf32, #tpu.memory_space<vmem_shared>> -> memref<640xf32, #tpu.memory_space<vmem_shared>>
      %dma_wait3A_75 = tpu.memref_slice %arg7[%mul3A_7] : memref<10240xf32, #tpu.memory_space<vmem_shared>> -> memref<640xf32, #tpu.memory_space<vmem_shared>>
      tpu.wait_dma2 semaphore(%run_scoped3A : memref<!tpu.dma_semaphore, #tpu.memory_space<semaphore_mem>>) src(%arg6 : memref<640xf32, #tpu.memory_space<vmem>>) dst(%dma_wait3A_75 : memref<640xf32, #tpu.memory_space<vmem_shared>>)
      tpu.yield
    }) : () -> ()
    %broadcast_in_dim3A = arith.constant 1.000000e+00 : f32
    %broadcast_in_dim3A_8 = vector.broadcast %broadcast_in_dim3A : f32 to vector<16xf32>
    %swap3A = arith.constant 0 : index
    %swap3A_9 = tpu.vector_load %arg5[%swap3A] {strides = array<i32>} : memref<128xf32, #tpu.memory_space<vmem>>, vector<16xf32>,
    %swap3A_10 = vector.shape_cast %swap3A_9 : vector<16xf32> to vector<16xf32>
    %swap3A_11 = vector.shape_cast %broadcast_in_dim3A_8 : vector<16xf32> to vector<16xf32>
    tpu.vector_store %arg5[%swap3A], %swap3A_11 {strides = array<i32>} : memref<128xf32, #tpu.memory_space<vmem>>, vector<16xf32>,
    %broadcast_in_dim3A_12 = arith.constant 1.000000e+00 : f32
    %broadcast_in_dim3A_13 = vector.broadcast %broadcast_in_dim3A_12 : f32 to vector<16xf32>
    %swap3A_14 = arith.constant 16 : index
    %swap3A_15 = tpu.vector_load %arg5[%swap3A_14] {strides = array<i32>} : memref<128xf32, #tpu.memory_space<vmem>>, vector<16xf32>,
    %swap3A_16 = vector.shape_cast %swap3A_15 : vector<16xf32> to vector<16xf32>
    %swap3A_17 = vector.shape_cast %broadcast_in_dim3A_13 : vector<16xf32> to vector<16xf32>
    tpu.vector_store %arg5[%swap3A_14], %swap3A_17 {strides = array<i32>} : memref<128xf32, #tpu.memory_space<vmem>>, vector<16xf32>,
    %broadcast_in_dim3A_18 = arith.constant 1.000000e+00 : f32
    %broadcast_in_dim3A_19 = vector.broadcast %broadcast_in_dim3A_18 : f32 to vector<16xf32>
    %swap3A_20 = arith.constant 32 : index
    %swap3A_21 = tpu.vector_load %arg5[%swap3A_20] {strides = array<i32>} : memref<128xf32, #tpu.memory_space<vmem>>, vector<16xf32>,
    %swap3A_22 = vector.shape_cast %swap3A_21 : vector<16xf32> to vector<16xf32>
    %swap3A_23 = vector.shape_cast %broadcast_in_dim3A_19 : vector<16xf32> to vector<16xf32>
    tpu.vector_store %arg5[%swap3A_20], %swap3A_23 {strides = array<i32>} : memref<128xf32, #tpu.memory_space<vmem>>, vector<16xf32>,
    %broadcast_in_dim3A_24 = arith.constant 1.000000e+00 : f32
    %broadcast_in_dim3A_25 = vector.broadcast %broadcast_in_dim3A_24 : f32 to vector<16xf32>
    %swap3A_26 = arith.constant 48 : index
    %swap3A_27 = tpu.vector_load %arg5[%swap3A_26] {strides = array<i32>} : memref<128xf32, #tpu.memory_space<vmem>>, vector<16xf32>,
    %swap3A_28 = vector.shape_cast %swap3A_27 : vector<16xf32> to vector<16xf32>
    %swap3A_29 = vector.shape_cast %broadcast_in_dim3A_25 : vector<16xf32> to vector<16xf32>
    tpu.vector_store %arg5[%swap3A_26], %swap3A_29 {strides = array<i32>} : memref<128xf32, #tpu.memory_space<vmem>>, vector<16xf32>,
    %broadcast_in_dim3A_30 = arith.constant 1.000000e+00 : f32
    %broadcast_in_dim3A_31 = vector.broadcast %broadcast_in_dim3A_30 : f32 to vector<16xf32>
    %swap3A_32 = arith.constant 64 : index
    %swap3A_33 = tpu.vector_load %arg5[%swap3A_32] {strides = array<i32>} : memref<128xf32, #tpu.memory_space<vmem>>, vector<16xf32>,
    %swap3A_34 = vector.shape_cast %swap3A_33 : vector<16xf32> to vector<16xf32>
    %swap3A_35 = vector.shape_cast %broadcast_in_dim3A_31 : vector<16xf32> to vector<16xf32>
    tpu.vector_store %arg5[%swap3A_32], %swap3A_35 {strides = array<i32>} : memref<128xf32, #tpu.memory_space<vmem>>, vector<16xf32>,
    %broadcast_in_dim3A_36 = arith.constant 1.000000e+00 : f32
    %broadcast_in_dim3A_37 = vector.broadcast %broadcast_in_dim3A_36 : f32 to vector<16xf32>
    %swap3A_38 = arith.constant 80 : index
    %swap3A_39 = tpu.vector_load %arg5[%swap3A_38] {strides = array<i32>} : memref<128xf32, #tpu.memory_space<vmem>>, vector<16xf32>,
    %swap3A_40 = vector.shape_cast %swap3A_39 : vector<16xf32> to vector<16xf32>
    %swap3A_41 = vector.shape_cast %broadcast_in_dim3A_37 : vector<16xf32> to vector<16xf32>
    tpu.vector_store %arg5[%swap3A_38], %swap3A_41 {strides = array<i32>} : memref<128xf32, #tpu.memory_space<vmem>>, vector<16xf32>,
    %broadcast_in_dim3A_42 = arith.constant 1.000000e+00 : f32
    %broadcast_in_dim3A_43 = vector.broadcast %broadcast_in_dim3A_42 : f32 to vector<16xf32>
    %swap3A_44 = arith.constant 96 : index
    %swap3A_45 = tpu.vector_load %arg5[%swap3A_44] {strides = array<i32>} : memref<128xf32, #tpu.memory_space<vmem>>, vector<16xf32>,
    %swap3A_46 = vector.shape_cast %swap3A_45 : vector<16xf32> to vector<16xf32>
    %swap3A_47 = vector.shape_cast %broadcast_in_dim3A_43 : vector<16xf32> to vector<16xf32>
    tpu.vector_store %arg5[%swap3A_44], %swap3A_47 {strides = array<i32>} : memref<128xf32, #tpu.memory_space<vmem>>, vector<16xf32>,
    %broadcast_in_dim3A_48 = arith.constant 1.000000e+00 : f32
    %broadcast_in_dim3A_49 = vector.broadcast %broadcast_in_dim3A_48 : f32 to vector<16xf32>
    %swap3A_50 = arith.constant 112 : index
    %swap3A_51 = tpu.vector_load %arg5[%swap3A_50] {strides = array<i32>} : memref<128xf32, #tpu.memory_space<vmem>>, vector<16xf32>,
    %swap3A_52 = vector.shape_cast %swap3A_51 : vector<16xf32> to vector<16xf32>
    %swap3A_53 = vector.shape_cast %broadcast_in_dim3A_49 : vector<16xf32> to vector<16xf32>
    tpu.vector_store %arg5[%swap3A_50], %swap3A_53 {strides = array<i32>} : memref<128xf32, #tpu.memory_space<vmem>>, vector<16xf32>,
    %mul3A_54 = arith.constant 80 : i32
    %mul3A_55 = arith.muli %add3A, %mul3A_54 : i32
    "tpu.region"() ({
      %run_scoped3A = tpu.sem_alloc : memref<!tpu.dma_semaphore, #tpu.memory_space<semaphore_mem>>
      %dma_start3A = arith.constant 0 : i32
      %dma_start3A_74 = tpu.memref_slice %arg2[%mul3A_55, %dma_start3A] : memref<2560x128xi32, #tpu.memory_space<hbm>> -> memref<80x128xi32, #tpu.memory_space<hbm>>
      %dma_start3A_75 = arith.constant 0 : i32
      %dma_start3A_76 = tpu.memref_slice %arg2[%mul3A_55, %dma_start3A_75] : memref<2560x128xi32, #tpu.memory_space<hbm>> -> memref<80x128xi32, #tpu.memory_space<hbm>>
      tpu.enqueue_dma source(%dma_start3A_76 : memref<80x128xi32, #tpu.memory_space<hbm>>) target(%arg4 : memref<80x128xi32, #tpu.memory_space<vmem>>) target_semaphore(%run_scoped3A : memref<!tpu.dma_semaphore, #tpu.memory_space<semaphore_mem>>)
      %dma_wait3A = arith.constant 0 : i32
      %dma_wait3A_77 = tpu.memref_slice %arg2[%mul3A_55, %dma_wait3A] : memref<2560x128xi32, #tpu.memory_space<hbm>> -> memref<80x128xi32, #tpu.memory_space<hbm>>
      %dma_wait3A_78 = arith.constant 0 : i32
      %dma_wait3A_79 = tpu.memref_slice %arg2[%mul3A_55, %dma_wait3A_78] : memref<2560x128xi32, #tpu.memory_space<hbm>> -> memref<80x128xi32, #tpu.memory_space<hbm>>
      tpu.wait_dma2 semaphore(%run_scoped3A : memref<!tpu.dma_semaphore, #tpu.memory_space<semaphore_mem>>) src(%dma_wait3A_79 : memref<80x128xi32, #tpu.memory_space<hbm>>) dst(%arg4 : memref<80x128xi32, #tpu.memory_space<vmem>>)
      tpu.yield
    }) : () -> ()
    %scan3A_56 = arith.constant 0 : i32
    %scan3A_57 = arith.constant 16383 : i32
    %scan3A_58 = arith.constant 0 : i32
    %scan3A_59 = arith.constant 80 : i32
    %scan3A_60 = arith.addi %scan3A_58, %scan3A_59 : i32
    %scan3A_61 = arith.constant 1 : i32
    scf.for %scan3A_74 = %scan3A_58 to %scan3A_60 step %scan3A_61  : i32 {
      %get3A = arith.index_cast %scan3A_74 : i32 to index
      %get3A_75 = arith.constant 0 : index
      %get3A_76 = tpu.vector_load %arg4[%get3A, %get3A_75] {strides = array<i32>} : memref<80x128xi32, #tpu.memory_space<vmem>>, vector<1x16xi32>,
      %get3A_77 = vector.shape_cast %get3A_76 : vector<1x16xi32> to vector<16xi32>
      %and3A = vector.broadcast %scan3A_57 : i32 to vector<16xi32>
      %and3A_78 = arith.andi %get3A_77, %and3A : vector<16xi32>
      %swap3A_79 = arith.index_cast %scan3A_74 : i32 to index
      %swap3A_80 = arith.constant 0 : index
      %swap3A_81 = tpu.vector_load %arg4[%swap3A_79, %swap3A_80] {strides = array<i32>} : memref<80x128xi32, #tpu.memory_space<vmem>>, vector<1x16xi32>,
      %swap3A_82 = vector.shape_cast %swap3A_81 : vector<1x16xi32> to vector<16xi32>
      %swap3A_83 = vector.shape_cast %and3A_78 : vector<16xi32> to vector<1x16xi32>
      tpu.vector_store %arg4[%swap3A_79, %swap3A_80], %swap3A_83 {strides = array<i32>} : memref<80x128xi32, #tpu.memory_space<vmem>>, vector<1x16xi32>,
      %get3A_84 = arith.index_cast %scan3A_74 : i32 to index
      %get3A_85 = arith.constant 16 : index
      %get3A_86 = tpu.vector_load %arg4[%get3A_84, %get3A_85] {strides = array<i32>} : memref<80x128xi32, #tpu.memory_space<vmem>>, vector<1x16xi32>,
      %get3A_87 = vector.shape_cast %get3A_86 : vector<1x16xi32> to vector<16xi32>
      %and3A_88 = vector.broadcast %scan3A_57 : i32 to vector<16xi32>
      %and3A_89 = arith.andi %get3A_87, %and3A_88 : vector<16xi32>
      %swap3A_90 = arith.index_cast %scan3A_74 : i32 to index
      %swap3A_91 = arith.constant 16 : index
      %swap3A_92 = tpu.vector_load %arg4[%swap3A_90, %swap3A_91] {strides = array<i32>} : memref<80x128xi32, #tpu.memory_space<vmem>>, vector<1x16xi32>,
      %swap3A_93 = vector.shape_cast %swap3A_92 : vector<1x16xi32> to vector<16xi32>
      %swap3A_94 = vector.shape_cast %and3A_89 : vector<16xi32> to vector<1x16xi32>
      tpu.vector_store %arg4[%swap3A_90, %swap3A_91], %swap3A_94 {strides = array<i32>} : memref<80x128xi32, #tpu.memory_space<vmem>>, vector<1x16xi32>,
      %get3A_95 = arith.index_cast %scan3A_74 : i32 to index
      %get3A_96 = arith.constant 32 : index
      %get3A_97 = tpu.vector_load %arg4[%get3A_95, %get3A_96] {strides = array<i32>} : memref<80x128xi32, #tpu.memory_space<vmem>>, vector<1x16xi32>,
      %get3A_98 = vector.shape_cast %get3A_97 : vector<1x16xi32> to vector<16xi32>
      %and3A_99 = vector.broadcast %scan3A_57 : i32 to vector<16xi32>
      %and3A_100 = arith.andi %get3A_98, %and3A_99 : vector<16xi32>
      %swap3A_101 = arith.index_cast %scan3A_74 : i32 to index
      %swap3A_102 = arith.constant 32 : index
      %swap3A_103 = tpu.vector_load %arg4[%swap3A_101, %swap3A_102] {strides = array<i32>} : memref<80x128xi32, #tpu.memory_space<vmem>>, vector<1x16xi32>,
      %swap3A_104 = vector.shape_cast %swap3A_103 : vector<1x16xi32> to vector<16xi32>
      %swap3A_105 = vector.shape_cast %and3A_100 : vector<16xi32> to vector<1x16xi32>
      tpu.vector_store %arg4[%swap3A_101, %swap3A_102], %swap3A_105 {strides = array<i32>} : memref<80x128xi32, #tpu.memory_space<vmem>>, vector<1x16xi32>,
      %get3A_106 = arith.index_cast %scan3A_74 : i32 to index
      %get3A_107 = arith.constant 48 : index
      %get3A_108 = tpu.vector_load %arg4[%get3A_106, %get3A_107] {strides = array<i32>} : memref<80x128xi32, #tpu.memory_space<vmem>>, vector<1x16xi32>,
      %get3A_109 = vector.shape_cast %get3A_108 : vector<1x16xi32> to vector<16xi32>
      %and3A_110 = vector.broadcast %scan3A_57 : i32 to vector<16xi32>
      %and3A_111 = arith.andi %get3A_109, %and3A_110 : vector<16xi32>
      %swap3A_112 = arith.index_cast %scan3A_74 : i32 to index
      %swap3A_113 = arith.constant 48 : index
      %swap3A_114 = tpu.vector_load %arg4[%swap3A_112, %swap3A_113] {strides = array<i32>} : memref<80x128xi32, #tpu.memory_space<vmem>>, vector<1x16xi32>,
      %swap3A_115 = vector.shape_cast %swap3A_114 : vector<1x16xi32> to vector<16xi32>
      %swap3A_116 = vector.shape_cast %and3A_111 : vector<16xi32> to vector<1x16xi32>
      tpu.vector_store %arg4[%swap3A_112, %swap3A_113], %swap3A_116 {strides = array<i32>} : memref<80x128xi32, #tpu.memory_space<vmem>>, vector<1x16xi32>,
      %get3A_117 = arith.index_cast %scan3A_74 : i32 to index
      %get3A_118 = arith.constant 64 : index
      %get3A_119 = tpu.vector_load %arg4[%get3A_117, %get3A_118] {strides = array<i32>} : memref<80x128xi32, #tpu.memory_space<vmem>>, vector<1x16xi32>,
      %get3A_120 = vector.shape_cast %get3A_119 : vector<1x16xi32> to vector<16xi32>
      %and3A_121 = vector.broadcast %scan3A_57 : i32 to vector<16xi32>
      %and3A_122 = arith.andi %get3A_120, %and3A_121 : vector<16xi32>
      %swap3A_123 = arith.index_cast %scan3A_74 : i32 to index
      %swap3A_124 = arith.constant 64 : index
      %swap3A_125 = tpu.vector_load %arg4[%swap3A_123, %swap3A_124] {strides = array<i32>} : memref<80x128xi32, #tpu.memory_space<vmem>>, vector<1x16xi32>,
      %swap3A_126 = vector.shape_cast %swap3A_125 : vector<1x16xi32> to vector<16xi32>
      %swap3A_127 = vector.shape_cast %and3A_122 : vector<16xi32> to vector<1x16xi32>
      tpu.vector_store %arg4[%swap3A_123, %swap3A_124], %swap3A_127 {strides = array<i32>} : memref<80x128xi32, #tpu.memory_space<vmem>>, vector<1x16xi32>,
      %get3A_128 = arith.index_cast %scan3A_74 : i32 to index
      %get3A_129 = arith.constant 80 : index
      %get3A_130 = tpu.vector_load %arg4[%get3A_128, %get3A_129] {strides = array<i32>} : memref<80x128xi32, #tpu.memory_space<vmem>>, vector<1x16xi32>,
      %get3A_131 = vector.shape_cast %get3A_130 : vector<1x16xi32> to vector<16xi32>
      %and3A_132 = vector.broadcast %scan3A_57 : i32 to vector<16xi32>
      %and3A_133 = arith.andi %get3A_131, %and3A_132 : vector<16xi32>
      %swap3A_134 = arith.index_cast %scan3A_74 : i32 to index
      %swap3A_135 = arith.constant 80 : index
      %swap3A_136 = tpu.vector_load %arg4[%swap3A_134, %swap3A_135] {strides = array<i32>} : memref<80x128xi32, #tpu.memory_space<vmem>>, vector<1x16xi32>,
      %swap3A_137 = vector.shape_cast %swap3A_136 : vector<1x16xi32> to vector<16xi32>
      %swap3A_138 = vector.shape_cast %and3A_133 : vector<16xi32> to vector<1x16xi32>
      tpu.vector_store %arg4[%swap3A_134, %swap3A_135], %swap3A_138 {strides = array<i32>} : memref<80x128xi32, #tpu.memory_space<vmem>>, vector<1x16xi32>,
      %get3A_139 = arith.index_cast %scan3A_74 : i32 to index
      %get3A_140 = arith.constant 96 : index
      %get3A_141 = tpu.vector_load %arg4[%get3A_139, %get3A_140] {strides = array<i32>} : memref<80x128xi32, #tpu.memory_space<vmem>>, vector<1x16xi32>,
      %get3A_142 = vector.shape_cast %get3A_141 : vector<1x16xi32> to vector<16xi32>
      %and3A_143 = vector.broadcast %scan3A_57 : i32 to vector<16xi32>
      %and3A_144 = arith.andi %get3A_142, %and3A_143 : vector<16xi32>
      %swap3A_145 = arith.index_cast %scan3A_74 : i32 to index
      %swap3A_146 = arith.constant 96 : index
      %swap3A_147 = tpu.vector_load %arg4[%swap3A_145, %swap3A_146] {strides = array<i32>} : memref<80x128xi32, #tpu.memory_space<vmem>>, vector<1x16xi32>,
      %swap3A_148 = vector.shape_cast %swap3A_147 : vector<1x16xi32> to vector<16xi32>
      %swap3A_149 = vector.shape_cast %and3A_144 : vector<16xi32> to vector<1x16xi32>
      tpu.vector_store %arg4[%swap3A_145, %swap3A_146], %swap3A_149 {strides = array<i32>} : memref<80x128xi32, #tpu.memory_space<vmem>>, vector<1x16xi32>,
      %get3A_150 = arith.index_cast %scan3A_74 : i32 to index
      %get3A_151 = arith.constant 112 : index
      %get3A_152 = tpu.vector_load %arg4[%get3A_150, %get3A_151] {strides = array<i32>} : memref<80x128xi32, #tpu.memory_space<vmem>>, vector<1x16xi32>,
      %get3A_153 = vector.shape_cast %get3A_152 : vector<1x16xi32> to vector<16xi32>
      %and3A_154 = vector.broadcast %scan3A_57 : i32 to vector<16xi32>
      %and3A_155 = arith.andi %get3A_153, %and3A_154 : vector<16xi32>
      %swap3A_156 = arith.index_cast %scan3A_74 : i32 to index
      %swap3A_157 = arith.constant 112 : index
      %swap3A_158 = tpu.vector_load %arg4[%swap3A_156, %swap3A_157] {strides = array<i32>} : memref<80x128xi32, #tpu.memory_space<vmem>>, vector<1x16xi32>,
      %swap3A_159 = vector.shape_cast %swap3A_158 : vector<1x16xi32> to vector<16xi32>
      %swap3A_160 = vector.shape_cast %and3A_155 : vector<16xi32> to vector<1x16xi32>
      tpu.vector_store %arg4[%swap3A_156, %swap3A_157], %swap3A_160 {strides = array<i32>} : memref<80x128xi32, #tpu.memory_space<vmem>>, vector<1x16xi32>,
    }
    %scan3A_62 = arith.constant 80 : i32
    %barrier3A = arith.constant 0 : index
    tpu.barrier barrier_id(%barrier3A)
    %scan3A_63 = arith.constant 0 : i32
    %scan3A_64 = arith.constant 0 : i32
    %scan3A_65 = arith.constant 10 : i32
    %scan3A_66 = arith.addi %scan3A_64, %scan3A_65 : i32
    %scan3A_67 = arith.constant 1 : i32
    scf.for %scan3A_74 = %scan3A_64 to %scan3A_66 step %scan3A_67  : i32 {
      %scan3A_75 = arith.constant 0 : i32
      %scan3A_76 = arith.constant 0 : i32
      %scan3A_77 = arith.constant 8 : i32
      %scan3A_78 = arith.addi %scan3A_76, %scan3A_77 : i32
      %scan3A_79 = arith.constant 1 : i32
      scf.for %scan3A_87 = %scan3A_76 to %scan3A_78 step %scan3A_79  : i32 {
        %mul3A_88 = arith.constant 8 : i32
        %mul3A_89 = arith.muli %scan3A_74, %mul3A_88 : i32
        %add3A_90 = arith.addi %mul3A_89, %scan3A_87 : i32
        %dma_start3A = arith.constant 0 : i32
        %dma_start3A_91 = tpu.memref_slice %arg4[%add3A_90, %dma_start3A] : memref<80x128xi32, #tpu.memory_space<vmem>> -> memref<1x128xi32, #tpu.memory_space<vmem>>
        %dma_start3A_92 = tpu.memref_squeeze %dma_start3A_91 : memref<1x128xi32, #tpu.memory_space<vmem>> -> memref<128xi32, #tpu.memory_space<vmem>>
        %dma_start3A_93 = arith.constant 0 : i32
        %dma_start3A_94 = tpu.memref_slice %arg7[%dma_start3A_93] : memref<10240xf32, #tpu.memory_space<vmem_shared>> -> memref<10240xf32, #tpu.memory_space<vmem_shared>>
        tpu.enqueue_indirect_dma source(%arg5 : memref<128xf32, #tpu.memory_space<vmem>>) target(%dma_start3A_94 : memref<10240xf32, #tpu.memory_space<vmem_shared>>) offsets(%dma_start3A_92 : memref<128xi32, #tpu.memory_space<vmem>>) semaphore(%arg8 : memref<!tpu.dma_semaphore, #tpu.memory_space<semaphore_mem>>) {add = true}
      }
      %scan3A_80 = arith.constant 8 : i32
      %scan3A_81 = arith.constant 0 : i32
      %scan3A_82 = arith.constant 0 : i32
      %scan3A_83 = arith.constant 8 : i32
      %scan3A_84 = arith.addi %scan3A_82, %scan3A_83 : i32
      %scan3A_85 = arith.constant 1 : i32
      scf.for %scan3A_87 = %scan3A_82 to %scan3A_84 step %scan3A_85  : i32 {
        %dma_wait3A = arith.constant 0 : i32
        %dma_wait3A_88 = arith.constant 0 : i32
        %dma_wait3A_89 = tpu.memref_slice %arg4[%dma_wait3A, %dma_wait3A_88] : memref<80x128xi32, #tpu.memory_space<vmem>> -> memref<1x128xi32, #tpu.memory_space<vmem>>
        %dma_wait3A_90 = tpu.memref_squeeze %dma_wait3A_89 : memref<1x128xi32, #tpu.memory_space<vmem>> -> memref<128xi32, #tpu.memory_space<vmem>>
        %dma_wait3A_91 = arith.constant 0 : i32
        %dma_wait3A_92 = tpu.memref_slice %arg7[%dma_wait3A_91] : memref<10240xf32, #tpu.memory_space<vmem_shared>> -> memref<10240xf32, #tpu.memory_space<vmem_shared>>
        tpu.wait_indirect_dma semaphore(%arg8 : memref<!tpu.dma_semaphore, #tpu.memory_space<semaphore_mem>>) src(%arg5 : memref<128xf32, #tpu.memory_space<vmem>>) dst(%dma_wait3A_92 : memref<10240xf32, #tpu.memory_space<vmem_shared>>)
      }
      %scan3A_86 = arith.constant 8 : i32
    }
    %scan3A_68 = arith.constant 10 : i32
    %barrier3A_69 = arith.constant 0 : index
    tpu.barrier barrier_id(%barrier3A_69)
    %mul3A_70 = arith.constant 640 : i32
    %mul3A_71 = arith.muli %arg1, %mul3A_70 : i32
    "tpu.region"() ({
      %run_scoped3A = tpu.sem_alloc : memref<!tpu.dma_semaphore, #tpu.memory_space<semaphore_mem>>
      %dma_start3A = tpu.memref_slice %arg7[%mul3A_71] : memref<10240xf32, #tpu.memory_space<vmem_shared>> -> memref<640xf32, #tpu.memory_space<vmem_shared>>
      %dma_start3A_74 = tpu.memref_slice %arg7[%mul3A_71] : memref<10240xf32, #tpu.memory_space<vmem_shared>> -> memref<640xf32, #tpu.memory_space<vmem_shared>>
      tpu.enqueue_dma source(%dma_start3A_74 : memref<640xf32, #tpu.memory_space<vmem_shared>>) target(%arg6 : memref<640xf32, #tpu.memory_space<vmem>>) target_semaphore(%run_scoped3A : memref<!tpu.dma_semaphore, #tpu.memory_space<semaphore_mem>>)
      %dma_wait3A = tpu.memref_slice %arg7[%mul3A_71] : memref<10240xf32, #tpu.memory_space<vmem_shared>> -> memref<640xf32, #tpu.memory_space<vmem_shared>>
      %dma_wait3A_75 = tpu.memref_slice %arg7[%mul3A_71] : memref<10240xf32, #tpu.memory_space<vmem_shared>> -> memref<640xf32, #tpu.memory_space<vmem_shared>>
      tpu.wait_dma2 semaphore(%run_scoped3A : memref<!tpu.dma_semaphore, #tpu.memory_space<semaphore_mem>>) src(%dma_wait3A_75 : memref<640xf32, #tpu.memory_space<vmem_shared>>) dst(%arg6 : memref<640xf32, #tpu.memory_space<vmem>>)
      tpu.yield
    }) : () -> ()
    %mul3A_72 = arith.constant 640 : i32
    %mul3A_73 = arith.muli %arg1, %mul3A_72 : i32
    "tpu.region"() ({
      %run_scoped3A = tpu.sem_alloc : memref<!tpu.dma_semaphore, #tpu.memory_space<semaphore_mem>>
      %dma_start3A = tpu.memref_slice %arg3[%arg0, %mul3A_73] : memref<2x10240xf32, #tpu.memory_space<hbm>> -> memref<1x640xf32, #tpu.memory_space<hbm>>
      %dma_start3A_74 = tpu.memref_squeeze %dma_start3A : memref<1x640xf32, #tpu.memory_space<hbm>> -> memref<640xf32, #tpu.memory_space<hbm>>
      %dma_start3A_75 = tpu.memref_slice %arg3[%arg0, %mul3A_73] : memref<2x10240xf32, #tpu.memory_space<hbm>> -> memref<1x640xf32, #tpu.memory_space<hbm>>
      %dma_start3A_76 = tpu.memref_squeeze %dma_start3A_75 : memref<1x640xf32, #tpu.memory_space<hbm>> -> memref<640xf32, #tpu.memory_space<hbm>>
      tpu.enqueue_dma source(%arg6 : memref<640xf32, #tpu.memory_space<vmem>>) target(%dma_start3A_76 : memref<640xf32, #tpu.memory_space<hbm>>) target_semaphore(%run_scoped3A : memref<!tpu.dma_semaphore, #tpu.memory_space<semaphore_mem>>)
      %dma_wait3A = tpu.memref_slice %arg3[%arg0, %mul3A_73] : memref<2x10240xf32, #tpu.memory_space<hbm>> -> memref<1x640xf32, #tpu.memory_space<hbm>>
      %dma_wait3A_77 = tpu.memref_squeeze %dma_wait3A : memref<1x640xf32, #tpu.memory_space<hbm>> -> memref<640xf32, #tpu.memory_space<hbm>>
      %dma_wait3A_78 = tpu.memref_slice %arg3[%arg0, %mul3A_73] : memref<2x10240xf32, #tpu.memory_space<hbm>> -> memref<1x640xf32, #tpu.memory_space<hbm>>
      %dma_wait3A_79 = tpu.memref_squeeze %dma_wait3A_78 : memref<1x640xf32, #tpu.memory_space<hbm>> -> memref<640xf32, #tpu.memory_space<hbm>>
      tpu.wait_dma2 semaphore(%run_scoped3A : memref<!tpu.dma_semaphore, #tpu.memory_space<semaphore_mem>>) src(%arg6 : memref<640xf32, #tpu.memory_space<vmem>>) dst(%dma_wait3A_79 : memref<640xf32, #tpu.memory_space<hbm>>)
      tpu.yield
    }) : () -> ()
    return
  }
}

#map = affine_map<(d0, d1) -> (0, 0)>
module attributes {stable_mosaic.version = 14 : i64} {
  func.func @_edge_body(%arg0: i32, %arg1: i32, %arg2: memref<10240x64xi32, #tpu.memory_space<hbm>>, %arg3: memref<2560x128xi32, #tpu.memory_space<hbm>>, %arg4: memref<32x128xf32, #tpu.memory_space<hbm>>, %arg5: memref<160x128xi32, #tpu.memory_space<vmem>>, %arg6: memref<128xf32, #tpu.memory_space<vmem>>, %arg7: memref<128x64xi32, #tpu.memory_space<vmem>>, %arg8: memref<128x64xi32, #tpu.memory_space<vmem>>, %arg9: memref<128x64xi32, #tpu.memory_space<vmem>>, %arg10: memref<128x64xi32, #tpu.memory_space<vmem>>, %arg11: memref<!tpu.dma_semaphore, #tpu.memory_space<semaphore_mem>>, %arg12: memref<!tpu.dma_semaphore, #tpu.memory_space<semaphore_mem>>, %arg13: memref<!tpu.dma_semaphore, #tpu.memory_space<semaphore_mem>>, %arg14: memref<!tpu.dma_semaphore, #tpu.memory_space<semaphore_mem>>) attributes {dimension_semantics = [#tpu.dimension_semantics<core_parallel>, #tpu.dimension_semantics<subcore_parallel>], iteration_bounds = array<i64: 2, 16>, scalar_prefetch = 0 : i64, scratch_operands = 10 : i64, tpu.core_type = #tpu.core_type<sc_vector_subcore>, window_params = [{transform_indices = #map}, {transform_indices = #map}, {transform_indices = #map}]} {
    %mul3A = arith.constant 2 : i32
    %mul3A_0 = arith.muli %arg1, %mul3A : i32
    %add3A = arith.addi %mul3A_0, %arg0 : i32
    %mul3A_1 = arith.constant 80 : i32
    %mul3A_2 = arith.muli %add3A, %mul3A_1 : i32
    "tpu.region"() ({
      %run_scoped3A = tpu.sem_alloc : memref<!tpu.dma_semaphore, #tpu.memory_space<semaphore_mem>>
      %dma_start3A_60 = arith.constant 0 : i32
      %dma_start3A_61 = arith.constant 0 : i32
      %dma_start3A_62 = tpu.memref_slice %arg5[%dma_start3A_60, %dma_start3A_61] : memref<160x128xi32, #tpu.memory_space<vmem>> -> memref<80x128xi32, #tpu.memory_space<vmem>>
      %dma_start3A_63 = arith.constant 0 : i32
      %dma_start3A_64 = tpu.memref_slice %arg3[%mul3A_2, %dma_start3A_63] : memref<2560x128xi32, #tpu.memory_space<hbm>> -> memref<80x128xi32, #tpu.memory_space<hbm>>
      %dma_start3A_65 = arith.constant 0 : i32
      %dma_start3A_66 = arith.constant 0 : i32
      %dma_start3A_67 = tpu.memref_slice %arg5[%dma_start3A_65, %dma_start3A_66] : memref<160x128xi32, #tpu.memory_space<vmem>> -> memref<80x128xi32, #tpu.memory_space<vmem>>
      %dma_start3A_68 = arith.constant 0 : i32
      %dma_start3A_69 = tpu.memref_slice %arg3[%mul3A_2, %dma_start3A_68] : memref<2560x128xi32, #tpu.memory_space<hbm>> -> memref<80x128xi32, #tpu.memory_space<hbm>>
      tpu.enqueue_dma source(%dma_start3A_69 : memref<80x128xi32, #tpu.memory_space<hbm>>) target(%dma_start3A_67 : memref<80x128xi32, #tpu.memory_space<vmem>>) target_semaphore(%run_scoped3A : memref<!tpu.dma_semaphore, #tpu.memory_space<semaphore_mem>>)
      %dma_wait3A = arith.constant 0 : i32
      %dma_wait3A_70 = arith.constant 0 : i32
      %dma_wait3A_71 = tpu.memref_slice %arg5[%dma_wait3A, %dma_wait3A_70] : memref<160x128xi32, #tpu.memory_space<vmem>> -> memref<80x128xi32, #tpu.memory_space<vmem>>
      %dma_wait3A_72 = arith.constant 0 : i32
      %dma_wait3A_73 = tpu.memref_slice %arg3[%mul3A_2, %dma_wait3A_72] : memref<2560x128xi32, #tpu.memory_space<hbm>> -> memref<80x128xi32, #tpu.memory_space<hbm>>
      %dma_wait3A_74 = arith.constant 0 : i32
      %dma_wait3A_75 = arith.constant 0 : i32
      %dma_wait3A_76 = tpu.memref_slice %arg5[%dma_wait3A_74, %dma_wait3A_75] : memref<160x128xi32, #tpu.memory_space<vmem>> -> memref<80x128xi32, #tpu.memory_space<vmem>>
      %dma_wait3A_77 = arith.constant 0 : i32
      %dma_wait3A_78 = tpu.memref_slice %arg3[%mul3A_2, %dma_wait3A_77] : memref<2560x128xi32, #tpu.memory_space<hbm>> -> memref<80x128xi32, #tpu.memory_space<hbm>>
      tpu.wait_dma2 semaphore(%run_scoped3A : memref<!tpu.dma_semaphore, #tpu.memory_space<semaphore_mem>>) src(%dma_wait3A_78 : memref<80x128xi32, #tpu.memory_space<hbm>>) dst(%dma_wait3A_76 : memref<80x128xi32, #tpu.memory_space<vmem>>)
      tpu.yield
    }) : () -> ()
    %scan3A = arith.constant 0 : i32
    %scan3A_3 = arith.constant 16383 : i32
    %scan3A_4 = arith.constant 0 : i32
    %scan3A_5 = arith.constant 80 : i32
    %scan3A_6 = arith.addi %scan3A_4, %scan3A_5 : i32
    %scan3A_7 = arith.constant 1 : i32
    scf.for %scan3A_60 = %scan3A_4 to %scan3A_6 step %scan3A_7  : i32 {
      %get3A = arith.index_cast %scan3A_60 : i32 to index
      %get3A_61 = arith.constant 0 : index
      %get3A_62 = tpu.vector_load %arg5[%get3A, %get3A_61] {strides = array<i32>} : memref<160x128xi32, #tpu.memory_space<vmem>>, vector<1x16xi32>,
      %get3A_63 = vector.shape_cast %get3A_62 : vector<1x16xi32> to vector<16xi32>
      %shift_right_logical3A = arith.constant 14 : i32
      %shift_right_logical3A_64 = vector.broadcast %shift_right_logical3A : i32 to vector<16xi32>
      %shift_right_logical3A_65 = arith.shrui %get3A_63, %shift_right_logical3A_64 : vector<16xi32>
      %add3A_66 = arith.constant 80 : i32
      %add3A_67 = arith.addi %add3A_66, %scan3A_60 : i32
      %swap3A_68 = arith.index_cast %add3A_67 : i32 to index
      %swap3A_69 = arith.constant 0 : index
      %swap3A_70 = tpu.vector_load %arg5[%swap3A_68, %swap3A_69] {strides = array<i32>} : memref<160x128xi32, #tpu.memory_space<vmem>>, vector<1x16xi32>,
      %swap3A_71 = vector.shape_cast %swap3A_70 : vector<1x16xi32> to vector<16xi32>
      %swap3A_72 = vector.shape_cast %shift_right_logical3A_65 : vector<16xi32> to vector<1x16xi32>
      tpu.vector_store %arg5[%swap3A_68, %swap3A_69], %swap3A_72 {strides = array<i32>} : memref<160x128xi32, #tpu.memory_space<vmem>>, vector<1x16xi32>,
      %and3A = vector.broadcast %scan3A_3 : i32 to vector<16xi32>
      %and3A_73 = arith.andi %get3A_63, %and3A : vector<16xi32>
      %swap3A_74 = arith.index_cast %scan3A_60 : i32 to index
      %swap3A_75 = arith.constant 0 : index
      %swap3A_76 = tpu.vector_load %arg5[%swap3A_74, %swap3A_75] {strides = array<i32>} : memref<160x128xi32, #tpu.memory_space<vmem>>, vector<1x16xi32>,
      %swap3A_77 = vector.shape_cast %swap3A_76 : vector<1x16xi32> to vector<16xi32>
      %swap3A_78 = vector.shape_cast %and3A_73 : vector<16xi32> to vector<1x16xi32>
      tpu.vector_store %arg5[%swap3A_74, %swap3A_75], %swap3A_78 {strides = array<i32>} : memref<160x128xi32, #tpu.memory_space<vmem>>, vector<1x16xi32>,
      %get3A_79 = arith.index_cast %scan3A_60 : i32 to index
      %get3A_80 = arith.constant 16 : index
      %get3A_81 = tpu.vector_load %arg5[%get3A_79, %get3A_80] {strides = array<i32>} : memref<160x128xi32, #tpu.memory_space<vmem>>, vector<1x16xi32>,
      %get3A_82 = vector.shape_cast %get3A_81 : vector<1x16xi32> to vector<16xi32>
      %shift_right_logical3A_83 = arith.constant 14 : i32
      %shift_right_logical3A_84 = vector.broadcast %shift_right_logical3A_83 : i32 to vector<16xi32>
      %shift_right_logical3A_85 = arith.shrui %get3A_82, %shift_right_logical3A_84 : vector<16xi32>
      %add3A_86 = arith.constant 80 : i32
      %add3A_87 = arith.addi %add3A_86, %scan3A_60 : i32
      %swap3A_88 = arith.index_cast %add3A_87 : i32 to index
      %swap3A_89 = arith.constant 16 : index
      %swap3A_90 = tpu.vector_load %arg5[%swap3A_88, %swap3A_89] {strides = array<i32>} : memref<160x128xi32, #tpu.memory_space<vmem>>, vector<1x16xi32>,
      %swap3A_91 = vector.shape_cast %swap3A_90 : vector<1x16xi32> to vector<16xi32>
      %swap3A_92 = vector.shape_cast %shift_right_logical3A_85 : vector<16xi32> to vector<1x16xi32>
      tpu.vector_store %arg5[%swap3A_88, %swap3A_89], %swap3A_92 {strides = array<i32>} : memref<160x128xi32, #tpu.memory_space<vmem>>, vector<1x16xi32>,
      %and3A_93 = vector.broadcast %scan3A_3 : i32 to vector<16xi32>
      %and3A_94 = arith.andi %get3A_82, %and3A_93 : vector<16xi32>
      %swap3A_95 = arith.index_cast %scan3A_60 : i32 to index
      %swap3A_96 = arith.constant 16 : index
      %swap3A_97 = tpu.vector_load %arg5[%swap3A_95, %swap3A_96] {strides = array<i32>} : memref<160x128xi32, #tpu.memory_space<vmem>>, vector<1x16xi32>,
      %swap3A_98 = vector.shape_cast %swap3A_97 : vector<1x16xi32> to vector<16xi32>
      %swap3A_99 = vector.shape_cast %and3A_94 : vector<16xi32> to vector<1x16xi32>
      tpu.vector_store %arg5[%swap3A_95, %swap3A_96], %swap3A_99 {strides = array<i32>} : memref<160x128xi32, #tpu.memory_space<vmem>>, vector<1x16xi32>,
      %get3A_100 = arith.index_cast %scan3A_60 : i32 to index
      %get3A_101 = arith.constant 32 : index
      %get3A_102 = tpu.vector_load %arg5[%get3A_100, %get3A_101] {strides = array<i32>} : memref<160x128xi32, #tpu.memory_space<vmem>>, vector<1x16xi32>,
      %get3A_103 = vector.shape_cast %get3A_102 : vector<1x16xi32> to vector<16xi32>
      %shift_right_logical3A_104 = arith.constant 14 : i32
      %shift_right_logical3A_105 = vector.broadcast %shift_right_logical3A_104 : i32 to vector<16xi32>
      %shift_right_logical3A_106 = arith.shrui %get3A_103, %shift_right_logical3A_105 : vector<16xi32>
      %add3A_107 = arith.constant 80 : i32
      %add3A_108 = arith.addi %add3A_107, %scan3A_60 : i32
      %swap3A_109 = arith.index_cast %add3A_108 : i32 to index
      %swap3A_110 = arith.constant 32 : index
      %swap3A_111 = tpu.vector_load %arg5[%swap3A_109, %swap3A_110] {strides = array<i32>} : memref<160x128xi32, #tpu.memory_space<vmem>>, vector<1x16xi32>,
      %swap3A_112 = vector.shape_cast %swap3A_111 : vector<1x16xi32> to vector<16xi32>
      %swap3A_113 = vector.shape_cast %shift_right_logical3A_106 : vector<16xi32> to vector<1x16xi32>
      tpu.vector_store %arg5[%swap3A_109, %swap3A_110], %swap3A_113 {strides = array<i32>} : memref<160x128xi32, #tpu.memory_space<vmem>>, vector<1x16xi32>,
      %and3A_114 = vector.broadcast %scan3A_3 : i32 to vector<16xi32>
      %and3A_115 = arith.andi %get3A_103, %and3A_114 : vector<16xi32>
      %swap3A_116 = arith.index_cast %scan3A_60 : i32 to index
      %swap3A_117 = arith.constant 32 : index
      %swap3A_118 = tpu.vector_load %arg5[%swap3A_116, %swap3A_117] {strides = array<i32>} : memref<160x128xi32, #tpu.memory_space<vmem>>, vector<1x16xi32>,
      %swap3A_119 = vector.shape_cast %swap3A_118 : vector<1x16xi32> to vector<16xi32>
      %swap3A_120 = vector.shape_cast %and3A_115 : vector<16xi32> to vector<1x16xi32>
      tpu.vector_store %arg5[%swap3A_116, %swap3A_117], %swap3A_120 {strides = array<i32>} : memref<160x128xi32, #tpu.memory_space<vmem>>, vector<1x16xi32>,
      %get3A_121 = arith.index_cast %scan3A_60 : i32 to index
      %get3A_122 = arith.constant 48 : index
      %get3A_123 = tpu.vector_load %arg5[%get3A_121, %get3A_122] {strides = array<i32>} : memref<160x128xi32, #tpu.memory_space<vmem>>, vector<1x16xi32>,
      %get3A_124 = vector.shape_cast %get3A_123 : vector<1x16xi32> to vector<16xi32>
      %shift_right_logical3A_125 = arith.constant 14 : i32
      %shift_right_logical3A_126 = vector.broadcast %shift_right_logical3A_125 : i32 to vector<16xi32>
      %shift_right_logical3A_127 = arith.shrui %get3A_124, %shift_right_logical3A_126 : vector<16xi32>
      %add3A_128 = arith.constant 80 : i32
      %add3A_129 = arith.addi %add3A_128, %scan3A_60 : i32
      %swap3A_130 = arith.index_cast %add3A_129 : i32 to index
      %swap3A_131 = arith.constant 48 : index
      %swap3A_132 = tpu.vector_load %arg5[%swap3A_130, %swap3A_131] {strides = array<i32>} : memref<160x128xi32, #tpu.memory_space<vmem>>, vector<1x16xi32>,
      %swap3A_133 = vector.shape_cast %swap3A_132 : vector<1x16xi32> to vector<16xi32>
      %swap3A_134 = vector.shape_cast %shift_right_logical3A_127 : vector<16xi32> to vector<1x16xi32>
      tpu.vector_store %arg5[%swap3A_130, %swap3A_131], %swap3A_134 {strides = array<i32>} : memref<160x128xi32, #tpu.memory_space<vmem>>, vector<1x16xi32>,
      %and3A_135 = vector.broadcast %scan3A_3 : i32 to vector<16xi32>
      %and3A_136 = arith.andi %get3A_124, %and3A_135 : vector<16xi32>
      %swap3A_137 = arith.index_cast %scan3A_60 : i32 to index
      %swap3A_138 = arith.constant 48 : index
      %swap3A_139 = tpu.vector_load %arg5[%swap3A_137, %swap3A_138] {strides = array<i32>} : memref<160x128xi32, #tpu.memory_space<vmem>>, vector<1x16xi32>,
      %swap3A_140 = vector.shape_cast %swap3A_139 : vector<1x16xi32> to vector<16xi32>
      %swap3A_141 = vector.shape_cast %and3A_136 : vector<16xi32> to vector<1x16xi32>
      tpu.vector_store %arg5[%swap3A_137, %swap3A_138], %swap3A_141 {strides = array<i32>} : memref<160x128xi32, #tpu.memory_space<vmem>>, vector<1x16xi32>,
      %get3A_142 = arith.index_cast %scan3A_60 : i32 to index
      %get3A_143 = arith.constant 64 : index
      %get3A_144 = tpu.vector_load %arg5[%get3A_142, %get3A_143] {strides = array<i32>} : memref<160x128xi32, #tpu.memory_space<vmem>>, vector<1x16xi32>,
      %get3A_145 = vector.shape_cast %get3A_144 : vector<1x16xi32> to vector<16xi32>
      %shift_right_logical3A_146 = arith.constant 14 : i32
      %shift_right_logical3A_147 = vector.broadcast %shift_right_logical3A_146 : i32 to vector<16xi32>
      %shift_right_logical3A_148 = arith.shrui %get3A_145, %shift_right_logical3A_147 : vector<16xi32>
      %add3A_149 = arith.constant 80 : i32
      %add3A_150 = arith.addi %add3A_149, %scan3A_60 : i32
      %swap3A_151 = arith.index_cast %add3A_150 : i32 to index
      %swap3A_152 = arith.constant 64 : index
      %swap3A_153 = tpu.vector_load %arg5[%swap3A_151, %swap3A_152] {strides = array<i32>} : memref<160x128xi32, #tpu.memory_space<vmem>>, vector<1x16xi32>,
      %swap3A_154 = vector.shape_cast %swap3A_153 : vector<1x16xi32> to vector<16xi32>
      %swap3A_155 = vector.shape_cast %shift_right_logical3A_148 : vector<16xi32> to vector<1x16xi32>
      tpu.vector_store %arg5[%swap3A_151, %swap3A_152], %swap3A_155 {strides = array<i32>} : memref<160x128xi32, #tpu.memory_space<vmem>>, vector<1x16xi32>,
      %and3A_156 = vector.broadcast %scan3A_3 : i32 to vector<16xi32>
      %and3A_157 = arith.andi %get3A_145, %and3A_156 : vector<16xi32>
      %swap3A_158 = arith.index_cast %scan3A_60 : i32 to index
      %swap3A_159 = arith.constant 64 : index
      %swap3A_160 = tpu.vector_load %arg5[%swap3A_158, %swap3A_159] {strides = array<i32>} : memref<160x128xi32, #tpu.memory_space<vmem>>, vector<1x16xi32>,
      %swap3A_161 = vector.shape_cast %swap3A_160 : vector<1x16xi32> to vector<16xi32>
      %swap3A_162 = vector.shape_cast %and3A_157 : vector<16xi32> to vector<1x16xi32>
      tpu.vector_store %arg5[%swap3A_158, %swap3A_159], %swap3A_162 {strides = array<i32>} : memref<160x128xi32, #tpu.memory_space<vmem>>, vector<1x16xi32>,
      %get3A_163 = arith.index_cast %scan3A_60 : i32 to index
      %get3A_164 = arith.constant 80 : index
      %get3A_165 = tpu.vector_load %arg5[%get3A_163, %get3A_164] {strides = array<i32>} : memref<160x128xi32, #tpu.memory_space<vmem>>, vector<1x16xi32>,
      %get3A_166 = vector.shape_cast %get3A_165 : vector<1x16xi32> to vector<16xi32>
      %shift_right_logical3A_167 = arith.constant 14 : i32
      %shift_right_logical3A_168 = vector.broadcast %shift_right_logical3A_167 : i32 to vector<16xi32>
      %shift_right_logical3A_169 = arith.shrui %get3A_166, %shift_right_logical3A_168 : vector<16xi32>
      %add3A_170 = arith.constant 80 : i32
      %add3A_171 = arith.addi %add3A_170, %scan3A_60 : i32
      %swap3A_172 = arith.index_cast %add3A_171 : i32 to index
      %swap3A_173 = arith.constant 80 : index
      %swap3A_174 = tpu.vector_load %arg5[%swap3A_172, %swap3A_173] {strides = array<i32>} : memref<160x128xi32, #tpu.memory_space<vmem>>, vector<1x16xi32>,
      %swap3A_175 = vector.shape_cast %swap3A_174 : vector<1x16xi32> to vector<16xi32>
      %swap3A_176 = vector.shape_cast %shift_right_logical3A_169 : vector<16xi32> to vector<1x16xi32>
      tpu.vector_store %arg5[%swap3A_172, %swap3A_173], %swap3A_176 {strides = array<i32>} : memref<160x128xi32, #tpu.memory_space<vmem>>, vector<1x16xi32>,
      %and3A_177 = vector.broadcast %scan3A_3 : i32 to vector<16xi32>
      %and3A_178 = arith.andi %get3A_166, %and3A_177 : vector<16xi32>
      %swap3A_179 = arith.index_cast %scan3A_60 : i32 to index
      %swap3A_180 = arith.constant 80 : index
      %swap3A_181 = tpu.vector_load %arg5[%swap3A_179, %swap3A_180] {strides = array<i32>} : memref<160x128xi32, #tpu.memory_space<vmem>>, vector<1x16xi32>,
      %swap3A_182 = vector.shape_cast %swap3A_181 : vector<1x16xi32> to vector<16xi32>
      %swap3A_183 = vector.shape_cast %and3A_178 : vector<16xi32> to vector<1x16xi32>
      tpu.vector_store %arg5[%swap3A_179, %swap3A_180], %swap3A_183 {strides = array<i32>} : memref<160x128xi32, #tpu.memory_space<vmem>>, vector<1x16xi32>,
      %get3A_184 = arith.index_cast %scan3A_60 : i32 to index
      %get3A_185 = arith.constant 96 : index
      %get3A_186 = tpu.vector_load %arg5[%get3A_184, %get3A_185] {strides = array<i32>} : memref<160x128xi32, #tpu.memory_space<vmem>>, vector<1x16xi32>,
      %get3A_187 = vector.shape_cast %get3A_186 : vector<1x16xi32> to vector<16xi32>
      %shift_right_logical3A_188 = arith.constant 14 : i32
      %shift_right_logical3A_189 = vector.broadcast %shift_right_logical3A_188 : i32 to vector<16xi32>
      %shift_right_logical3A_190 = arith.shrui %get3A_187, %shift_right_logical3A_189 : vector<16xi32>
      %add3A_191 = arith.constant 80 : i32
      %add3A_192 = arith.addi %add3A_191, %scan3A_60 : i32
      %swap3A_193 = arith.index_cast %add3A_192 : i32 to index
      %swap3A_194 = arith.constant 96 : index
      %swap3A_195 = tpu.vector_load %arg5[%swap3A_193, %swap3A_194] {strides = array<i32>} : memref<160x128xi32, #tpu.memory_space<vmem>>, vector<1x16xi32>,
      %swap3A_196 = vector.shape_cast %swap3A_195 : vector<1x16xi32> to vector<16xi32>
      %swap3A_197 = vector.shape_cast %shift_right_logical3A_190 : vector<16xi32> to vector<1x16xi32>
      tpu.vector_store %arg5[%swap3A_193, %swap3A_194], %swap3A_197 {strides = array<i32>} : memref<160x128xi32, #tpu.memory_space<vmem>>, vector<1x16xi32>,
      %and3A_198 = vector.broadcast %scan3A_3 : i32 to vector<16xi32>
      %and3A_199 = arith.andi %get3A_187, %and3A_198 : vector<16xi32>
      %swap3A_200 = arith.index_cast %scan3A_60 : i32 to index
      %swap3A_201 = arith.constant 96 : index
      %swap3A_202 = tpu.vector_load %arg5[%swap3A_200, %swap3A_201] {strides = array<i32>} : memref<160x128xi32, #tpu.memory_space<vmem>>, vector<1x16xi32>,
      %swap3A_203 = vector.shape_cast %swap3A_202 : vector<1x16xi32> to vector<16xi32>
      %swap3A_204 = vector.shape_cast %and3A_199 : vector<16xi32> to vector<1x16xi32>
      tpu.vector_store %arg5[%swap3A_200, %swap3A_201], %swap3A_204 {strides = array<i32>} : memref<160x128xi32, #tpu.memory_space<vmem>>, vector<1x16xi32>,
      %get3A_205 = arith.index_cast %scan3A_60 : i32 to index
      %get3A_206 = arith.constant 112 : index
      %get3A_207 = tpu.vector_load %arg5[%get3A_205, %get3A_206] {strides = array<i32>} : memref<160x128xi32, #tpu.memory_space<vmem>>, vector<1x16xi32>,
      %get3A_208 = vector.shape_cast %get3A_207 : vector<1x16xi32> to vector<16xi32>
      %shift_right_logical3A_209 = arith.constant 14 : i32
      %shift_right_logical3A_210 = vector.broadcast %shift_right_logical3A_209 : i32 to vector<16xi32>
      %shift_right_logical3A_211 = arith.shrui %get3A_208, %shift_right_logical3A_210 : vector<16xi32>
      %add3A_212 = arith.constant 80 : i32
      %add3A_213 = arith.addi %add3A_212, %scan3A_60 : i32
      %swap3A_214 = arith.index_cast %add3A_213 : i32 to index
      %swap3A_215 = arith.constant 112 : index
      %swap3A_216 = tpu.vector_load %arg5[%swap3A_214, %swap3A_215] {strides = array<i32>} : memref<160x128xi32, #tpu.memory_space<vmem>>, vector<1x16xi32>,
      %swap3A_217 = vector.shape_cast %swap3A_216 : vector<1x16xi32> to vector<16xi32>
      %swap3A_218 = vector.shape_cast %shift_right_logical3A_211 : vector<16xi32> to vector<1x16xi32>
      tpu.vector_store %arg5[%swap3A_214, %swap3A_215], %swap3A_218 {strides = array<i32>} : memref<160x128xi32, #tpu.memory_space<vmem>>, vector<1x16xi32>,
      %and3A_219 = vector.broadcast %scan3A_3 : i32 to vector<16xi32>
      %and3A_220 = arith.andi %get3A_208, %and3A_219 : vector<16xi32>
      %swap3A_221 = arith.index_cast %scan3A_60 : i32 to index
      %swap3A_222 = arith.constant 112 : index
      %swap3A_223 = tpu.vector_load %arg5[%swap3A_221, %swap3A_222] {strides = array<i32>} : memref<160x128xi32, #tpu.memory_space<vmem>>, vector<1x16xi32>,
      %swap3A_224 = vector.shape_cast %swap3A_223 : vector<1x16xi32> to vector<16xi32>
      %swap3A_225 = vector.shape_cast %and3A_220 : vector<16xi32> to vector<1x16xi32>
      tpu.vector_store %arg5[%swap3A_221, %swap3A_222], %swap3A_225 {strides = array<i32>} : memref<160x128xi32, #tpu.memory_space<vmem>>, vector<1x16xi32>,
    }
    %scan3A_8 = arith.constant 80 : i32
    %broadcast_in_dim3A = arith.constant 0.000000e+00 : f32
    %broadcast_in_dim3A_9 = vector.broadcast %broadcast_in_dim3A : f32 to vector<16xf32>
    %dma_start3A = arith.constant 0 : i32
    %dma_start3A_10 = arith.constant 0 : i32
    %dma_start3A_11 = tpu.memref_slice %arg5[%dma_start3A, %dma_start3A_10] : memref<160x128xi32, #tpu.memory_space<vmem>> -> memref<1x128xi32, #tpu.memory_space<vmem>>
    %dma_start3A_12 = tpu.memref_squeeze %dma_start3A_11 : memref<1x128xi32, #tpu.memory_space<vmem>> -> memref<128xi32, #tpu.memory_space<vmem>>
    %dma_start3A_13 = arith.constant 0 : i32
    %dma_start3A_14 = arith.constant 0 : i32
    %dma_start3A_15 = tpu.memref_slice %arg2[%dma_start3A_13, %dma_start3A_14] : memref<10240x64xi32, #tpu.memory_space<hbm>> -> memref<10240x64xi32, #tpu.memory_space<hbm>>
    tpu.enqueue_indirect_dma source(%dma_start3A_15 : memref<10240x64xi32, #tpu.memory_space<hbm>>) target(%arg7 : memref<128x64xi32, #tpu.memory_space<vmem>>) offsets(%dma_start3A_12 : memref<128xi32, #tpu.memory_space<vmem>>) semaphore(%arg11 : memref<!tpu.dma_semaphore, #tpu.memory_space<semaphore_mem>>)
    %dma_start3A_16 = arith.constant 80 : i32
    %dma_start3A_17 = arith.constant 0 : i32
    %dma_start3A_18 = tpu.memref_slice %arg5[%dma_start3A_16, %dma_start3A_17] : memref<160x128xi32, #tpu.memory_space<vmem>> -> memref<1x128xi32, #tpu.memory_space<vmem>>
    %dma_start3A_19 = tpu.memref_squeeze %dma_start3A_18 : memref<1x128xi32, #tpu.memory_space<vmem>> -> memref<128xi32, #tpu.memory_space<vmem>>
    %dma_start3A_20 = arith.constant 0 : i32
    %dma_start3A_21 = arith.constant 0 : i32
    %dma_start3A_22 = tpu.memref_slice %arg2[%dma_start3A_20, %dma_start3A_21] : memref<10240x64xi32, #tpu.memory_space<hbm>> -> memref<10240x64xi32, #tpu.memory_space<hbm>>
    tpu.enqueue_indirect_dma source(%dma_start3A_22 : memref<10240x64xi32, #tpu.memory_space<hbm>>) target(%arg8 : memref<128x64xi32, #tpu.memory_space<vmem>>) offsets(%dma_start3A_19 : memref<128xi32, #tpu.memory_space<vmem>>) semaphore(%arg12 : memref<!tpu.dma_semaphore, #tpu.memory_space<semaphore_mem>>)
    %scan3A_23 = arith.constant 0 : i32
    %scan3A_24 = arith.constant 40 : i32
    %scan3A_25 = arith.addi %scan3A_23, %scan3A_24 : i32
    %scan3A_26 = arith.constant 1 : i32
    %scan3A_27:8 = scf.for %scan3A_60 = %scan3A_23 to %scan3A_25 step %scan3A_26 iter_args(%scan3A_61 = %broadcast_in_dim3A_9, %scan3A_62 = %broadcast_in_dim3A_9, %scan3A_63 = %broadcast_in_dim3A_9, %scan3A_64 = %broadcast_in_dim3A_9, %scan3A_65 = %broadcast_in_dim3A_9, %scan3A_66 = %broadcast_in_dim3A_9, %scan3A_67 = %broadcast_in_dim3A_9, %scan3A_68 = %broadcast_in_dim3A_9) -> (vector<16xf32>, vector<16xf32>, vector<16xf32>, vector<16xf32>, vector<16xf32>, vector<16xf32>, vector<16xf32>, vector<16xf32>)  : i32 {
      %mul3A_69 = arith.constant 2 : i32
      %mul3A_70 = arith.muli %mul3A_69, %scan3A_60 : i32
      %add3A_71 = arith.constant 1 : i32
      %add3A_72 = arith.addi %mul3A_70, %add3A_71 : i32
      %dma_start3A_73 = arith.constant 0 : i32
      %dma_start3A_74 = tpu.memref_slice %arg5[%add3A_72, %dma_start3A_73] : memref<160x128xi32, #tpu.memory_space<vmem>> -> memref<1x128xi32, #tpu.memory_space<vmem>>
      %dma_start3A_75 = tpu.memref_squeeze %dma_start3A_74 : memref<1x128xi32, #tpu.memory_space<vmem>> -> memref<128xi32, #tpu.memory_space<vmem>>
      %dma_start3A_76 = arith.constant 0 : i32
      %dma_start3A_77 = arith.constant 0 : i32
      %dma_start3A_78 = tpu.memref_slice %arg2[%dma_start3A_76, %dma_start3A_77] : memref<10240x64xi32, #tpu.memory_space<hbm>> -> memref<10240x64xi32, #tpu.memory_space<hbm>>
      tpu.enqueue_indirect_dma source(%dma_start3A_78 : memref<10240x64xi32, #tpu.memory_space<hbm>>) target(%arg9 : memref<128x64xi32, #tpu.memory_space<vmem>>) offsets(%dma_start3A_75 : memref<128xi32, #tpu.memory_space<vmem>>) semaphore(%arg13 : memref<!tpu.dma_semaphore, #tpu.memory_space<semaphore_mem>>)
      %add3A_79 = arith.constant 80 : i32
      %add3A_80 = arith.addi %add3A_79, %add3A_72 : i32
      %dma_start3A_81 = arith.constant 0 : i32
      %dma_start3A_82 = tpu.memref_slice %arg5[%add3A_80, %dma_start3A_81] : memref<160x128xi32, #tpu.memory_space<vmem>> -> memref<1x128xi32, #tpu.memory_space<vmem>>
      %dma_start3A_83 = tpu.memref_squeeze %dma_start3A_82 : memref<1x128xi32, #tpu.memory_space<vmem>> -> memref<128xi32, #tpu.memory_space<vmem>>
      %dma_start3A_84 = arith.constant 0 : i32
      %dma_start3A_85 = arith.constant 0 : i32
      %dma_start3A_86 = tpu.memref_slice %arg2[%dma_start3A_84, %dma_start3A_85] : memref<10240x64xi32, #tpu.memory_space<hbm>> -> memref<10240x64xi32, #tpu.memory_space<hbm>>
      tpu.enqueue_indirect_dma source(%dma_start3A_86 : memref<10240x64xi32, #tpu.memory_space<hbm>>) target(%arg10 : memref<128x64xi32, #tpu.memory_space<vmem>>) offsets(%dma_start3A_83 : memref<128xi32, #tpu.memory_space<vmem>>) semaphore(%arg14 : memref<!tpu.dma_semaphore, #tpu.memory_space<semaphore_mem>>)
      %dma_wait3A = arith.constant 0 : i32
      %dma_wait3A_87 = arith.constant 0 : i32
      %dma_wait3A_88 = tpu.memref_slice %arg5[%dma_wait3A, %dma_wait3A_87] : memref<160x128xi32, #tpu.memory_space<vmem>> -> memref<1x128xi32, #tpu.memory_space<vmem>>
      %dma_wait3A_89 = tpu.memref_squeeze %dma_wait3A_88 : memref<1x128xi32, #tpu.memory_space<vmem>> -> memref<128xi32, #tpu.memory_space<vmem>>
      %dma_wait3A_90 = arith.constant 0 : i32
      %dma_wait3A_91 = arith.constant 0 : i32
      %dma_wait3A_92 = tpu.memref_slice %arg2[%dma_wait3A_90, %dma_wait3A_91] : memref<10240x64xi32, #tpu.memory_space<hbm>> -> memref<10240x64xi32, #tpu.memory_space<hbm>>
      tpu.wait_indirect_dma semaphore(%arg11 : memref<!tpu.dma_semaphore, #tpu.memory_space<semaphore_mem>>) src(%dma_wait3A_92 : memref<10240x64xi32, #tpu.memory_space<hbm>>) dst(%arg7 : memref<128x64xi32, #tpu.memory_space<vmem>>)
      %dma_wait3A_93 = arith.constant 0 : i32
      %dma_wait3A_94 = arith.constant 0 : i32
      %dma_wait3A_95 = tpu.memref_slice %arg5[%dma_wait3A_93, %dma_wait3A_94] : memref<160x128xi32, #tpu.memory_space<vmem>> -> memref<1x128xi32, #tpu.memory_space<vmem>>
      %dma_wait3A_96 = tpu.memref_squeeze %dma_wait3A_95 : memref<1x128xi32, #tpu.memory_space<vmem>> -> memref<128xi32, #tpu.memory_space<vmem>>
      %dma_wait3A_97 = arith.constant 0 : i32
      %dma_wait3A_98 = arith.constant 0 : i32
      %dma_wait3A_99 = tpu.memref_slice %arg2[%dma_wait3A_97, %dma_wait3A_98] : memref<10240x64xi32, #tpu.memory_space<hbm>> -> memref<10240x64xi32, #tpu.memory_space<hbm>>
      tpu.wait_indirect_dma semaphore(%arg12 : memref<!tpu.dma_semaphore, #tpu.memory_space<semaphore_mem>>) src(%dma_wait3A_99 : memref<10240x64xi32, #tpu.memory_space<hbm>>) dst(%arg8 : memref<128x64xi32, #tpu.memory_space<vmem>>)
      %scan3A_100 = arith.constant 0 : i32
      %scan3A_101 = arith.constant 64 : i32
      %scan3A_102 = arith.addi %scan3A_100, %scan3A_101 : i32
      %scan3A_103 = arith.constant 1 : i32
      %scan3A_104:8 = scf.for %scan3A_128 = %scan3A_100 to %scan3A_102 step %scan3A_103 iter_args(%scan3A_129 = %scan3A_61, %scan3A_130 = %scan3A_62, %scan3A_131 = %scan3A_63, %scan3A_132 = %scan3A_64, %scan3A_133 = %scan3A_65, %scan3A_134 = %scan3A_66, %scan3A_135 = %scan3A_67, %scan3A_136 = %scan3A_68) -> (vector<16xf32>, vector<16xf32>, vector<16xf32>, vector<16xf32>, vector<16xf32>, vector<16xf32>, vector<16xf32>, vector<16xf32>)  : i32 {
        %mul3A_137 = arith.constant 2 : i32
        %mul3A_138 = arith.muli %mul3A_137, %scan3A_128 : i32
        %get3A = arith.index_cast %mul3A_138 : i32 to index
        %get3A_139 = arith.constant 0 : index
        %get3A_140 = tpu.vector_load %arg7[%get3A, %get3A_139] {strides = array<i32>} : memref<128x64xi32, #tpu.memory_space<vmem>>, vector<1x16xi32>,
        %get3A_141 = vector.shape_cast %get3A_140 : vector<1x16xi32> to vector<16xi32>
        %get3A_142 = arith.index_cast %mul3A_138 : i32 to index
        %get3A_143 = arith.constant 0 : index
        %get3A_144 = tpu.vector_load %arg8[%get3A_142, %get3A_143] {strides = array<i32>} : memref<128x64xi32, #tpu.memory_space<vmem>>, vector<1x16xi32>,
        %get3A_145 = vector.shape_cast %get3A_144 : vector<1x16xi32> to vector<16xi32>
        %shift_left3A = arith.constant 16 : i32
        %shift_left3A_146 = vector.broadcast %shift_left3A : i32 to vector<16xi32>
        %shift_left3A_147 = arith.shli %get3A_141, %shift_left3A_146 : vector<16xi32>
        %bitcast_convert_type3A = tpu.bitcast %shift_left3A_147 : vector<16xi32> -> vector<16xf32>
        %shift_left3A_148 = arith.constant 16 : i32
        %shift_left3A_149 = vector.broadcast %shift_left3A_148 : i32 to vector<16xi32>
        %shift_left3A_150 = arith.shli %get3A_145, %shift_left3A_149 : vector<16xi32>
        %bitcast_convert_type3A_151 = tpu.bitcast %shift_left3A_150 : vector<16xi32> -> vector<16xf32>
        %bitcast_convert_type3A_152 = tpu.bitcast %get3A_141 : vector<16xi32> -> vector<16xf32>
        %bitcast_convert_type3A_153 = tpu.bitcast %get3A_145 : vector<16xi32> -> vector<16xf32>
        %sub3A = arith.subf %bitcast_convert_type3A, %bitcast_convert_type3A_151 : vector<16xf32>
        %sub3A_154 = arith.subf %bitcast_convert_type3A_152, %bitcast_convert_type3A_153 : vector<16xf32>
        %mul3A_155 = arith.mulf %sub3A, %sub3A : vector<16xf32>
        %add3A_156 = arith.addf %scan3A_129, %mul3A_155 : vector<16xf32>
        %mul3A_157 = arith.mulf %sub3A_154, %sub3A_154 : vector<16xf32>
        %add3A_158 = arith.addf %scan3A_130, %mul3A_157 : vector<16xf32>
        %get3A_159 = arith.index_cast %mul3A_138 : i32 to index
        %get3A_160 = arith.constant 16 : index
        %get3A_161 = tpu.vector_load %arg7[%get3A_159, %get3A_160] {strides = array<i32>} : memref<128x64xi32, #tpu.memory_space<vmem>>, vector<1x16xi32>,
        %get3A_162 = vector.shape_cast %get3A_161 : vector<1x16xi32> to vector<16xi32>
        %get3A_163 = arith.index_cast %mul3A_138 : i32 to index
        %get3A_164 = arith.constant 16 : index
        %get3A_165 = tpu.vector_load %arg8[%get3A_163, %get3A_164] {strides = array<i32>} : memref<128x64xi32, #tpu.memory_space<vmem>>, vector<1x16xi32>,
        %get3A_166 = vector.shape_cast %get3A_165 : vector<1x16xi32> to vector<16xi32>
        %shift_left3A_167 = arith.constant 16 : i32
        %shift_left3A_168 = vector.broadcast %shift_left3A_167 : i32 to vector<16xi32>
        %shift_left3A_169 = arith.shli %get3A_162, %shift_left3A_168 : vector<16xi32>
        %bitcast_convert_type3A_170 = tpu.bitcast %shift_left3A_169 : vector<16xi32> -> vector<16xf32>
        %shift_left3A_171 = arith.constant 16 : i32
        %shift_left3A_172 = vector.broadcast %shift_left3A_171 : i32 to vector<16xi32>
        %shift_left3A_173 = arith.shli %get3A_166, %shift_left3A_172 : vector<16xi32>
        %bitcast_convert_type3A_174 = tpu.bitcast %shift_left3A_173 : vector<16xi32> -> vector<16xf32>
        %bitcast_convert_type3A_175 = tpu.bitcast %get3A_162 : vector<16xi32> -> vector<16xf32>
        %bitcast_convert_type3A_176 = tpu.bitcast %get3A_166 : vector<16xi32> -> vector<16xf32>
        %sub3A_177 = arith.subf %bitcast_convert_type3A_170, %bitcast_convert_type3A_174 : vector<16xf32>
        %sub3A_178 = arith.subf %bitcast_convert_type3A_175, %bitcast_convert_type3A_176 : vector<16xf32>
        %mul3A_179 = arith.mulf %sub3A_177, %sub3A_177 : vector<16xf32>
        %add3A_180 = arith.addf %scan3A_131, %mul3A_179 : vector<16xf32>
        %mul3A_181 = arith.mulf %sub3A_178, %sub3A_178 : vector<16xf32>
        %add3A_182 = arith.addf %scan3A_132, %mul3A_181 : vector<16xf32>
        %get3A_183 = arith.index_cast %mul3A_138 : i32 to index
        %get3A_184 = arith.constant 32 : index
        %get3A_185 = tpu.vector_load %arg7[%get3A_183, %get3A_184] {strides = array<i32>} : memref<128x64xi32, #tpu.memory_space<vmem>>, vector<1x16xi32>,
        %get3A_186 = vector.shape_cast %get3A_185 : vector<1x16xi32> to vector<16xi32>
        %get3A_187 = arith.index_cast %mul3A_138 : i32 to index
        %get3A_188 = arith.constant 32 : index
        %get3A_189 = tpu.vector_load %arg8[%get3A_187, %get3A_188] {strides = array<i32>} : memref<128x64xi32, #tpu.memory_space<vmem>>, vector<1x16xi32>,
        %get3A_190 = vector.shape_cast %get3A_189 : vector<1x16xi32> to vector<16xi32>
        %shift_left3A_191 = arith.constant 16 : i32
        %shift_left3A_192 = vector.broadcast %shift_left3A_191 : i32 to vector<16xi32>
        %shift_left3A_193 = arith.shli %get3A_186, %shift_left3A_192 : vector<16xi32>
        %bitcast_convert_type3A_194 = tpu.bitcast %shift_left3A_193 : vector<16xi32> -> vector<16xf32>
        %shift_left3A_195 = arith.constant 16 : i32
        %shift_left3A_196 = vector.broadcast %shift_left3A_195 : i32 to vector<16xi32>
        %shift_left3A_197 = arith.shli %get3A_190, %shift_left3A_196 : vector<16xi32>
        %bitcast_convert_type3A_198 = tpu.bitcast %shift_left3A_197 : vector<16xi32> -> vector<16xf32>
        %bitcast_convert_type3A_199 = tpu.bitcast %get3A_186 : vector<16xi32> -> vector<16xf32>
        %bitcast_convert_type3A_200 = tpu.bitcast %get3A_190 : vector<16xi32> -> vector<16xf32>
        %sub3A_201 = arith.subf %bitcast_convert_type3A_194, %bitcast_convert_type3A_198 : vector<16xf32>
        %sub3A_202 = arith.subf %bitcast_convert_type3A_199, %bitcast_convert_type3A_200 : vector<16xf32>
        %mul3A_203 = arith.mulf %sub3A_201, %sub3A_201 : vector<16xf32>
        %add3A_204 = arith.addf %scan3A_133, %mul3A_203 : vector<16xf32>
        %mul3A_205 = arith.mulf %sub3A_202, %sub3A_202 : vector<16xf32>
        %add3A_206 = arith.addf %scan3A_134, %mul3A_205 : vector<16xf32>
        %get3A_207 = arith.index_cast %mul3A_138 : i32 to index
        %get3A_208 = arith.constant 48 : index
        %get3A_209 = tpu.vector_load %arg7[%get3A_207, %get3A_208] {strides = array<i32>} : memref<128x64xi32, #tpu.memory_space<vmem>>, vector<1x16xi32>,
        %get3A_210 = vector.shape_cast %get3A_209 : vector<1x16xi32> to vector<16xi32>
        %get3A_211 = arith.index_cast %mul3A_138 : i32 to index
        %get3A_212 = arith.constant 48 : index
        %get3A_213 = tpu.vector_load %arg8[%get3A_211, %get3A_212] {strides = array<i32>} : memref<128x64xi32, #tpu.memory_space<vmem>>, vector<1x16xi32>,
        %get3A_214 = vector.shape_cast %get3A_213 : vector<1x16xi32> to vector<16xi32>
        %shift_left3A_215 = arith.constant 16 : i32
        %shift_left3A_216 = vector.broadcast %shift_left3A_215 : i32 to vector<16xi32>
        %shift_left3A_217 = arith.shli %get3A_210, %shift_left3A_216 : vector<16xi32>
        %bitcast_convert_type3A_218 = tpu.bitcast %shift_left3A_217 : vector<16xi32> -> vector<16xf32>
        %shift_left3A_219 = arith.constant 16 : i32
        %shift_left3A_220 = vector.broadcast %shift_left3A_219 : i32 to vector<16xi32>
        %shift_left3A_221 = arith.shli %get3A_214, %shift_left3A_220 : vector<16xi32>
        %bitcast_convert_type3A_222 = tpu.bitcast %shift_left3A_221 : vector<16xi32> -> vector<16xf32>
        %bitcast_convert_type3A_223 = tpu.bitcast %get3A_210 : vector<16xi32> -> vector<16xf32>
        %bitcast_convert_type3A_224 = tpu.bitcast %get3A_214 : vector<16xi32> -> vector<16xf32>
        %sub3A_225 = arith.subf %bitcast_convert_type3A_218, %bitcast_convert_type3A_222 : vector<16xf32>
        %sub3A_226 = arith.subf %bitcast_convert_type3A_223, %bitcast_convert_type3A_224 : vector<16xf32>
        %mul3A_227 = arith.mulf %sub3A_225, %sub3A_225 : vector<16xf32>
        %add3A_228 = arith.addf %scan3A_135, %mul3A_227 : vector<16xf32>
        %mul3A_229 = arith.mulf %sub3A_226, %sub3A_226 : vector<16xf32>
        %add3A_230 = arith.addf %scan3A_136, %mul3A_229 : vector<16xf32>
        %mul3A_231 = arith.constant 2 : i32
        %mul3A_232 = arith.muli %mul3A_231, %scan3A_128 : i32
        %add3A_233 = arith.constant 1 : i32
        %add3A_234 = arith.addi %mul3A_232, %add3A_233 : i32
        %get3A_235 = arith.index_cast %add3A_234 : i32 to index
        %get3A_236 = arith.constant 0 : index
        %get3A_237 = tpu.vector_load %arg7[%get3A_235, %get3A_236] {strides = array<i32>} : memref<128x64xi32, #tpu.memory_space<vmem>>, vector<1x16xi32>,
        %get3A_238 = vector.shape_cast %get3A_237 : vector<1x16xi32> to vector<16xi32>
        %get3A_239 = arith.index_cast %add3A_234 : i32 to index
        %get3A_240 = arith.constant 0 : index
        %get3A_241 = tpu.vector_load %arg8[%get3A_239, %get3A_240] {strides = array<i32>} : memref<128x64xi32, #tpu.memory_space<vmem>>, vector<1x16xi32>,
        %get3A_242 = vector.shape_cast %get3A_241 : vector<1x16xi32> to vector<16xi32>
        %shift_left3A_243 = arith.constant 16 : i32
        %shift_left3A_244 = vector.broadcast %shift_left3A_243 : i32 to vector<16xi32>
        %shift_left3A_245 = arith.shli %get3A_238, %shift_left3A_244 : vector<16xi32>
        %bitcast_convert_type3A_246 = tpu.bitcast %shift_left3A_245 : vector<16xi32> -> vector<16xf32>
        %shift_left3A_247 = arith.constant 16 : i32
        %shift_left3A_248 = vector.broadcast %shift_left3A_247 : i32 to vector<16xi32>
        %shift_left3A_249 = arith.shli %get3A_242, %shift_left3A_248 : vector<16xi32>
        %bitcast_convert_type3A_250 = tpu.bitcast %shift_left3A_249 : vector<16xi32> -> vector<16xf32>
        %bitcast_convert_type3A_251 = tpu.bitcast %get3A_238 : vector<16xi32> -> vector<16xf32>
        %bitcast_convert_type3A_252 = tpu.bitcast %get3A_242 : vector<16xi32> -> vector<16xf32>
        %sub3A_253 = arith.subf %bitcast_convert_type3A_246, %bitcast_convert_type3A_250 : vector<16xf32>
        %sub3A_254 = arith.subf %bitcast_convert_type3A_251, %bitcast_convert_type3A_252 : vector<16xf32>
        %mul3A_255 = arith.mulf %sub3A_253, %sub3A_253 : vector<16xf32>
        %add3A_256 = arith.addf %add3A_156, %mul3A_255 : vector<16xf32>
        %mul3A_257 = arith.mulf %sub3A_254, %sub3A_254 : vector<16xf32>
        %add3A_258 = arith.addf %add3A_158, %mul3A_257 : vector<16xf32>
        %get3A_259 = arith.index_cast %add3A_234 : i32 to index
        %get3A_260 = arith.constant 16 : index
        %get3A_261 = tpu.vector_load %arg7[%get3A_259, %get3A_260] {strides = array<i32>} : memref<128x64xi32, #tpu.memory_space<vmem>>, vector<1x16xi32>,
        %get3A_262 = vector.shape_cast %get3A_261 : vector<1x16xi32> to vector<16xi32>
        %get3A_263 = arith.index_cast %add3A_234 : i32 to index
        %get3A_264 = arith.constant 16 : index
        %get3A_265 = tpu.vector_load %arg8[%get3A_263, %get3A_264] {strides = array<i32>} : memref<128x64xi32, #tpu.memory_space<vmem>>, vector<1x16xi32>,
        %get3A_266 = vector.shape_cast %get3A_265 : vector<1x16xi32> to vector<16xi32>
        %shift_left3A_267 = arith.constant 16 : i32
        %shift_left3A_268 = vector.broadcast %shift_left3A_267 : i32 to vector<16xi32>
        %shift_left3A_269 = arith.shli %get3A_262, %shift_left3A_268 : vector<16xi32>
        %bitcast_convert_type3A_270 = tpu.bitcast %shift_left3A_269 : vector<16xi32> -> vector<16xf32>
        %shift_left3A_271 = arith.constant 16 : i32
        %shift_left3A_272 = vector.broadcast %shift_left3A_271 : i32 to vector<16xi32>
        %shift_left3A_273 = arith.shli %get3A_266, %shift_left3A_272 : vector<16xi32>
        %bitcast_convert_type3A_274 = tpu.bitcast %shift_left3A_273 : vector<16xi32> -> vector<16xf32>
        %bitcast_convert_type3A_275 = tpu.bitcast %get3A_262 : vector<16xi32> -> vector<16xf32>
        %bitcast_convert_type3A_276 = tpu.bitcast %get3A_266 : vector<16xi32> -> vector<16xf32>
        %sub3A_277 = arith.subf %bitcast_convert_type3A_270, %bitcast_convert_type3A_274 : vector<16xf32>
        %sub3A_278 = arith.subf %bitcast_convert_type3A_275, %bitcast_convert_type3A_276 : vector<16xf32>
        %mul3A_279 = arith.mulf %sub3A_277, %sub3A_277 : vector<16xf32>
        %add3A_280 = arith.addf %add3A_180, %mul3A_279 : vector<16xf32>
        %mul3A_281 = arith.mulf %sub3A_278, %sub3A_278 : vector<16xf32>
        %add3A_282 = arith.addf %add3A_182, %mul3A_281 : vector<16xf32>
        %get3A_283 = arith.index_cast %add3A_234 : i32 to index
        %get3A_284 = arith.constant 32 : index
        %get3A_285 = tpu.vector_load %arg7[%get3A_283, %get3A_284] {strides = array<i32>} : memref<128x64xi32, #tpu.memory_space<vmem>>, vector<1x16xi32>,
        %get3A_286 = vector.shape_cast %get3A_285 : vector<1x16xi32> to vector<16xi32>
        %get3A_287 = arith.index_cast %add3A_234 : i32 to index
        %get3A_288 = arith.constant 32 : index
        %get3A_289 = tpu.vector_load %arg8[%get3A_287, %get3A_288] {strides = array<i32>} : memref<128x64xi32, #tpu.memory_space<vmem>>, vector<1x16xi32>,
        %get3A_290 = vector.shape_cast %get3A_289 : vector<1x16xi32> to vector<16xi32>
        %shift_left3A_291 = arith.constant 16 : i32
        %shift_left3A_292 = vector.broadcast %shift_left3A_291 : i32 to vector<16xi32>
        %shift_left3A_293 = arith.shli %get3A_286, %shift_left3A_292 : vector<16xi32>
        %bitcast_convert_type3A_294 = tpu.bitcast %shift_left3A_293 : vector<16xi32> -> vector<16xf32>
        %shift_left3A_295 = arith.constant 16 : i32
        %shift_left3A_296 = vector.broadcast %shift_left3A_295 : i32 to vector<16xi32>
        %shift_left3A_297 = arith.shli %get3A_290, %shift_left3A_296 : vector<16xi32>
        %bitcast_convert_type3A_298 = tpu.bitcast %shift_left3A_297 : vector<16xi32> -> vector<16xf32>
        %bitcast_convert_type3A_299 = tpu.bitcast %get3A_286 : vector<16xi32> -> vector<16xf32>
        %bitcast_convert_type3A_300 = tpu.bitcast %get3A_290 : vector<16xi32> -> vector<16xf32>
        %sub3A_301 = arith.subf %bitcast_convert_type3A_294, %bitcast_convert_type3A_298 : vector<16xf32>
        %sub3A_302 = arith.subf %bitcast_convert_type3A_299, %bitcast_convert_type3A_300 : vector<16xf32>
        %mul3A_303 = arith.mulf %sub3A_301, %sub3A_301 : vector<16xf32>
        %add3A_304 = arith.addf %add3A_204, %mul3A_303 : vector<16xf32>
        %mul3A_305 = arith.mulf %sub3A_302, %sub3A_302 : vector<16xf32>
        %add3A_306 = arith.addf %add3A_206, %mul3A_305 : vector<16xf32>
        %get3A_307 = arith.index_cast %add3A_234 : i32 to index
        %get3A_308 = arith.constant 48 : index
        %get3A_309 = tpu.vector_load %arg7[%get3A_307, %get3A_308] {strides = array<i32>} : memref<128x64xi32, #tpu.memory_space<vmem>>, vector<1x16xi32>,
        %get3A_310 = vector.shape_cast %get3A_309 : vector<1x16xi32> to vector<16xi32>
        %get3A_311 = arith.index_cast %add3A_234 : i32 to index
        %get3A_312 = arith.constant 48 : index
        %get3A_313 = tpu.vector_load %arg8[%get3A_311, %get3A_312] {strides = array<i32>} : memref<128x64xi32, #tpu.memory_space<vmem>>, vector<1x16xi32>,
        %get3A_314 = vector.shape_cast %get3A_313 : vector<1x16xi32> to vector<16xi32>
        %shift_left3A_315 = arith.constant 16 : i32
        %shift_left3A_316 = vector.broadcast %shift_left3A_315 : i32 to vector<16xi32>
        %shift_left3A_317 = arith.shli %get3A_310, %shift_left3A_316 : vector<16xi32>
        %bitcast_convert_type3A_318 = tpu.bitcast %shift_left3A_317 : vector<16xi32> -> vector<16xf32>
        %shift_left3A_319 = arith.constant 16 : i32
        %shift_left3A_320 = vector.broadcast %shift_left3A_319 : i32 to vector<16xi32>
        %shift_left3A_321 = arith.shli %get3A_314, %shift_left3A_320 : vector<16xi32>
        %bitcast_convert_type3A_322 = tpu.bitcast %shift_left3A_321 : vector<16xi32> -> vector<16xf32>
        %bitcast_convert_type3A_323 = tpu.bitcast %get3A_310 : vector<16xi32> -> vector<16xf32>
        %bitcast_convert_type3A_324 = tpu.bitcast %get3A_314 : vector<16xi32> -> vector<16xf32>
        %sub3A_325 = arith.subf %bitcast_convert_type3A_318, %bitcast_convert_type3A_322 : vector<16xf32>
        %sub3A_326 = arith.subf %bitcast_convert_type3A_323, %bitcast_convert_type3A_324 : vector<16xf32>
        %mul3A_327 = arith.mulf %sub3A_325, %sub3A_325 : vector<16xf32>
        %add3A_328 = arith.addf %add3A_228, %mul3A_327 : vector<16xf32>
        %mul3A_329 = arith.mulf %sub3A_326, %sub3A_326 : vector<16xf32>
        %add3A_330 = arith.addf %add3A_230, %mul3A_329 : vector<16xf32>
        scf.yield %add3A_256, %add3A_258, %add3A_280, %add3A_282, %add3A_304, %add3A_306, %add3A_328, %add3A_330 : vector<16xf32>, vector<16xf32>, vector<16xf32>, vector<16xf32>, vector<16xf32>, vector<16xf32>, vector<16xf32>, vector<16xf32>
      }
      %scan3A_105 = arith.constant 64 : i32
      %lt3A = arith.constant 39 : i32
      %lt3A_106 = arith.cmpi slt, %scan3A_60, %lt3A : i32
      %convert_element_type3A = arith.extui %lt3A_106 : i1 to i32
      %cond3A = arith.constant 0 : i32
      %cond3A_107 = arith.cmpi ne, %convert_element_type3A, %cond3A : i32
      scf.if %cond3A_107 {
        %add3A_128 = arith.constant 2 : i32
        %add3A_129 = arith.addi %mul3A_70, %add3A_128 : i32
        %dma_start3A_130 = arith.constant 0 : i32
        %dma_start3A_131 = tpu.memref_slice %arg5[%add3A_129, %dma_start3A_130] : memref<160x128xi32, #tpu.memory_space<vmem>> -> memref<1x128xi32, #tpu.memory_space<vmem>>
        %dma_start3A_132 = tpu.memref_squeeze %dma_start3A_131 : memref<1x128xi32, #tpu.memory_space<vmem>> -> memref<128xi32, #tpu.memory_space<vmem>>
        %dma_start3A_133 = arith.constant 0 : i32
        %dma_start3A_134 = arith.constant 0 : i32
        %dma_start3A_135 = tpu.memref_slice %arg2[%dma_start3A_133, %dma_start3A_134] : memref<10240x64xi32, #tpu.memory_space<hbm>> -> memref<10240x64xi32, #tpu.memory_space<hbm>>
        tpu.enqueue_indirect_dma source(%dma_start3A_135 : memref<10240x64xi32, #tpu.memory_space<hbm>>) target(%arg7 : memref<128x64xi32, #tpu.memory_space<vmem>>) offsets(%dma_start3A_132 : memref<128xi32, #tpu.memory_space<vmem>>) semaphore(%arg11 : memref<!tpu.dma_semaphore, #tpu.memory_space<semaphore_mem>>)
        %add3A_136 = arith.constant 80 : i32
        %add3A_137 = arith.addi %add3A_136, %add3A_129 : i32
        %dma_start3A_138 = arith.constant 0 : i32
        %dma_start3A_139 = tpu.memref_slice %arg5[%add3A_137, %dma_start3A_138] : memref<160x128xi32, #tpu.memory_space<vmem>> -> memref<1x128xi32, #tpu.memory_space<vmem>>
        %dma_start3A_140 = tpu.memref_squeeze %dma_start3A_139 : memref<1x128xi32, #tpu.memory_space<vmem>> -> memref<128xi32, #tpu.memory_space<vmem>>
        %dma_start3A_141 = arith.constant 0 : i32
        %dma_start3A_142 = arith.constant 0 : i32
        %dma_start3A_143 = tpu.memref_slice %arg2[%dma_start3A_141, %dma_start3A_142] : memref<10240x64xi32, #tpu.memory_space<hbm>> -> memref<10240x64xi32, #tpu.memory_space<hbm>>
        tpu.enqueue_indirect_dma source(%dma_start3A_143 : memref<10240x64xi32, #tpu.memory_space<hbm>>) target(%arg8 : memref<128x64xi32, #tpu.memory_space<vmem>>) offsets(%dma_start3A_140 : memref<128xi32, #tpu.memory_space<vmem>>) semaphore(%arg12 : memref<!tpu.dma_semaphore, #tpu.memory_space<semaphore_mem>>)
      } else {
      }
      %dma_wait3A_108 = arith.constant 0 : i32
      %dma_wait3A_109 = arith.constant 0 : i32
      %dma_wait3A_110 = tpu.memref_slice %arg5[%dma_wait3A_108, %dma_wait3A_109] : memref<160x128xi32, #tpu.memory_space<vmem>> -> memref<1x128xi32, #tpu.memory_space<vmem>>
      %dma_wait3A_111 = tpu.memref_squeeze %dma_wait3A_110 : memref<1x128xi32, #tpu.memory_space<vmem>> -> memref<128xi32, #tpu.memory_space<vmem>>
      %dma_wait3A_112 = arith.constant 0 : i32
      %dma_wait3A_113 = arith.constant 0 : i32
      %dma_wait3A_114 = tpu.memref_slice %arg2[%dma_wait3A_112, %dma_wait3A_113] : memref<10240x64xi32, #tpu.memory_space<hbm>> -> memref<10240x64xi32, #tpu.memory_space<hbm>>
      tpu.wait_indirect_dma semaphore(%arg13 : memref<!tpu.dma_semaphore, #tpu.memory_space<semaphore_mem>>) src(%dma_wait3A_114 : memref<10240x64xi32, #tpu.memory_space<hbm>>) dst(%arg9 : memref<128x64xi32, #tpu.memory_space<vmem>>)
      %dma_wait3A_115 = arith.constant 0 : i32
      %dma_wait3A_116 = arith.constant 0 : i32
      %dma_wait3A_117 = tpu.memref_slice %arg5[%dma_wait3A_115, %dma_wait3A_116] : memref<160x128xi32, #tpu.memory_space<vmem>> -> memref<1x128xi32, #tpu.memory_space<vmem>>
      %dma_wait3A_118 = tpu.memref_squeeze %dma_wait3A_117 : memref<1x128xi32, #tpu.memory_space<vmem>> -> memref<128xi32, #tpu.memory_space<vmem>>
      %dma_wait3A_119 = arith.constant 0 : i32
      %dma_wait3A_120 = arith.constant 0 : i32
      %dma_wait3A_121 = tpu.memref_slice %arg2[%dma_wait3A_119, %dma_wait3A_120] : memref<10240x64xi32, #tpu.memory_space<hbm>> -> memref<10240x64xi32, #tpu.memory_space<hbm>>
      tpu.wait_indirect_dma semaphore(%arg14 : memref<!tpu.dma_semaphore, #tpu.memory_space<semaphore_mem>>) src(%dma_wait3A_121 : memref<10240x64xi32, #tpu.memory_space<hbm>>) dst(%arg10 : memref<128x64xi32, #tpu.memory_space<vmem>>)
      %scan3A_122 = arith.constant 0 : i32
      %scan3A_123 = arith.constant 64 : i32
      %scan3A_124 = arith.addi %scan3A_122, %scan3A_123 : i32
      %scan3A_125 = arith.constant 1 : i32
      %scan3A_126:8 = scf.for %scan3A_128 = %scan3A_122 to %scan3A_124 step %scan3A_125 iter_args(%scan3A_129 = %scan3A_104#0, %scan3A_130 = %scan3A_104#1, %scan3A_131 = %scan3A_104#2, %scan3A_132 = %scan3A_104#3, %scan3A_133 = %scan3A_104#4, %scan3A_134 = %scan3A_104#5, %scan3A_135 = %scan3A_104#6, %scan3A_136 = %scan3A_104#7) -> (vector<16xf32>, vector<16xf32>, vector<16xf32>, vector<16xf32>, vector<16xf32>, vector<16xf32>, vector<16xf32>, vector<16xf32>)  : i32 {
        %mul3A_137 = arith.constant 2 : i32
        %mul3A_138 = arith.muli %mul3A_137, %scan3A_128 : i32
        %get3A = arith.index_cast %mul3A_138 : i32 to index
        %get3A_139 = arith.constant 0 : index
        %get3A_140 = tpu.vector_load %arg9[%get3A, %get3A_139] {strides = array<i32>} : memref<128x64xi32, #tpu.memory_space<vmem>>, vector<1x16xi32>,
        %get3A_141 = vector.shape_cast %get3A_140 : vector<1x16xi32> to vector<16xi32>
        %get3A_142 = arith.index_cast %mul3A_138 : i32 to index
        %get3A_143 = arith.constant 0 : index
        %get3A_144 = tpu.vector_load %arg10[%get3A_142, %get3A_143] {strides = array<i32>} : memref<128x64xi32, #tpu.memory_space<vmem>>, vector<1x16xi32>,
        %get3A_145 = vector.shape_cast %get3A_144 : vector<1x16xi32> to vector<16xi32>
        %shift_left3A = arith.constant 16 : i32
        %shift_left3A_146 = vector.broadcast %shift_left3A : i32 to vector<16xi32>
        %shift_left3A_147 = arith.shli %get3A_141, %shift_left3A_146 : vector<16xi32>
        %bitcast_convert_type3A = tpu.bitcast %shift_left3A_147 : vector<16xi32> -> vector<16xf32>
        %shift_left3A_148 = arith.constant 16 : i32
        %shift_left3A_149 = vector.broadcast %shift_left3A_148 : i32 to vector<16xi32>
        %shift_left3A_150 = arith.shli %get3A_145, %shift_left3A_149 : vector<16xi32>
        %bitcast_convert_type3A_151 = tpu.bitcast %shift_left3A_150 : vector<16xi32> -> vector<16xf32>
        %bitcast_convert_type3A_152 = tpu.bitcast %get3A_141 : vector<16xi32> -> vector<16xf32>
        %bitcast_convert_type3A_153 = tpu.bitcast %get3A_145 : vector<16xi32> -> vector<16xf32>
        %sub3A = arith.subf %bitcast_convert_type3A, %bitcast_convert_type3A_151 : vector<16xf32>
        %sub3A_154 = arith.subf %bitcast_convert_type3A_152, %bitcast_convert_type3A_153 : vector<16xf32>
        %mul3A_155 = arith.mulf %sub3A, %sub3A : vector<16xf32>
        %add3A_156 = arith.addf %scan3A_129, %mul3A_155 : vector<16xf32>
        %mul3A_157 = arith.mulf %sub3A_154, %sub3A_154 : vector<16xf32>
        %add3A_158 = arith.addf %scan3A_130, %mul3A_157 : vector<16xf32>
        %get3A_159 = arith.index_cast %mul3A_138 : i32 to index
        %get3A_160 = arith.constant 16 : index
        %get3A_161 = tpu.vector_load %arg9[%get3A_159, %get3A_160] {strides = array<i32>} : memref<128x64xi32, #tpu.memory_space<vmem>>, vector<1x16xi32>,
        %get3A_162 = vector.shape_cast %get3A_161 : vector<1x16xi32> to vector<16xi32>
        %get3A_163 = arith.index_cast %mul3A_138 : i32 to index
        %get3A_164 = arith.constant 16 : index
        %get3A_165 = tpu.vector_load %arg10[%get3A_163, %get3A_164] {strides = array<i32>} : memref<128x64xi32, #tpu.memory_space<vmem>>, vector<1x16xi32>,
        %get3A_166 = vector.shape_cast %get3A_165 : vector<1x16xi32> to vector<16xi32>
        %shift_left3A_167 = arith.constant 16 : i32
        %shift_left3A_168 = vector.broadcast %shift_left3A_167 : i32 to vector<16xi32>
        %shift_left3A_169 = arith.shli %get3A_162, %shift_left3A_168 : vector<16xi32>
        %bitcast_convert_type3A_170 = tpu.bitcast %shift_left3A_169 : vector<16xi32> -> vector<16xf32>
        %shift_left3A_171 = arith.constant 16 : i32
        %shift_left3A_172 = vector.broadcast %shift_left3A_171 : i32 to vector<16xi32>
        %shift_left3A_173 = arith.shli %get3A_166, %shift_left3A_172 : vector<16xi32>
        %bitcast_convert_type3A_174 = tpu.bitcast %shift_left3A_173 : vector<16xi32> -> vector<16xf32>
        %bitcast_convert_type3A_175 = tpu.bitcast %get3A_162 : vector<16xi32> -> vector<16xf32>
        %bitcast_convert_type3A_176 = tpu.bitcast %get3A_166 : vector<16xi32> -> vector<16xf32>
        %sub3A_177 = arith.subf %bitcast_convert_type3A_170, %bitcast_convert_type3A_174 : vector<16xf32>
        %sub3A_178 = arith.subf %bitcast_convert_type3A_175, %bitcast_convert_type3A_176 : vector<16xf32>
        %mul3A_179 = arith.mulf %sub3A_177, %sub3A_177 : vector<16xf32>
        %add3A_180 = arith.addf %scan3A_131, %mul3A_179 : vector<16xf32>
        %mul3A_181 = arith.mulf %sub3A_178, %sub3A_178 : vector<16xf32>
        %add3A_182 = arith.addf %scan3A_132, %mul3A_181 : vector<16xf32>
        %get3A_183 = arith.index_cast %mul3A_138 : i32 to index
        %get3A_184 = arith.constant 32 : index
        %get3A_185 = tpu.vector_load %arg9[%get3A_183, %get3A_184] {strides = array<i32>} : memref<128x64xi32, #tpu.memory_space<vmem>>, vector<1x16xi32>,
        %get3A_186 = vector.shape_cast %get3A_185 : vector<1x16xi32> to vector<16xi32>
        %get3A_187 = arith.index_cast %mul3A_138 : i32 to index
        %get3A_188 = arith.constant 32 : index
        %get3A_189 = tpu.vector_load %arg10[%get3A_187, %get3A_188] {strides = array<i32>} : memref<128x64xi32, #tpu.memory_space<vmem>>, vector<1x16xi32>,
        %get3A_190 = vector.shape_cast %get3A_189 : vector<1x16xi32> to vector<16xi32>
        %shift_left3A_191 = arith.constant 16 : i32
        %shift_left3A_192 = vector.broadcast %shift_left3A_191 : i32 to vector<16xi32>
        %shift_left3A_193 = arith.shli %get3A_186, %shift_left3A_192 : vector<16xi32>
        %bitcast_convert_type3A_194 = tpu.bitcast %shift_left3A_193 : vector<16xi32> -> vector<16xf32>
        %shift_left3A_195 = arith.constant 16 : i32
        %shift_left3A_196 = vector.broadcast %shift_left3A_195 : i32 to vector<16xi32>
        %shift_left3A_197 = arith.shli %get3A_190, %shift_left3A_196 : vector<16xi32>
        %bitcast_convert_type3A_198 = tpu.bitcast %shift_left3A_197 : vector<16xi32> -> vector<16xf32>
        %bitcast_convert_type3A_199 = tpu.bitcast %get3A_186 : vector<16xi32> -> vector<16xf32>
        %bitcast_convert_type3A_200 = tpu.bitcast %get3A_190 : vector<16xi32> -> vector<16xf32>
        %sub3A_201 = arith.subf %bitcast_convert_type3A_194, %bitcast_convert_type3A_198 : vector<16xf32>
        %sub3A_202 = arith.subf %bitcast_convert_type3A_199, %bitcast_convert_type3A_200 : vector<16xf32>
        %mul3A_203 = arith.mulf %sub3A_201, %sub3A_201 : vector<16xf32>
        %add3A_204 = arith.addf %scan3A_133, %mul3A_203 : vector<16xf32>
        %mul3A_205 = arith.mulf %sub3A_202, %sub3A_202 : vector<16xf32>
        %add3A_206 = arith.addf %scan3A_134, %mul3A_205 : vector<16xf32>
        %get3A_207 = arith.index_cast %mul3A_138 : i32 to index
        %get3A_208 = arith.constant 48 : index
        %get3A_209 = tpu.vector_load %arg9[%get3A_207, %get3A_208] {strides = array<i32>} : memref<128x64xi32, #tpu.memory_space<vmem>>, vector<1x16xi32>,
        %get3A_210 = vector.shape_cast %get3A_209 : vector<1x16xi32> to vector<16xi32>
        %get3A_211 = arith.index_cast %mul3A_138 : i32 to index
        %get3A_212 = arith.constant 48 : index
        %get3A_213 = tpu.vector_load %arg10[%get3A_211, %get3A_212] {strides = array<i32>} : memref<128x64xi32, #tpu.memory_space<vmem>>, vector<1x16xi32>,
        %get3A_214 = vector.shape_cast %get3A_213 : vector<1x16xi32> to vector<16xi32>
        %shift_left3A_215 = arith.constant 16 : i32
        %shift_left3A_216 = vector.broadcast %shift_left3A_215 : i32 to vector<16xi32>
        %shift_left3A_217 = arith.shli %get3A_210, %shift_left3A_216 : vector<16xi32>
        %bitcast_convert_type3A_218 = tpu.bitcast %shift_left3A_217 : vector<16xi32> -> vector<16xf32>
        %shift_left3A_219 = arith.constant 16 : i32
        %shift_left3A_220 = vector.broadcast %shift_left3A_219 : i32 to vector<16xi32>
        %shift_left3A_221 = arith.shli %get3A_214, %shift_left3A_220 : vector<16xi32>
        %bitcast_convert_type3A_222 = tpu.bitcast %shift_left3A_221 : vector<16xi32> -> vector<16xf32>
        %bitcast_convert_type3A_223 = tpu.bitcast %get3A_210 : vector<16xi32> -> vector<16xf32>
        %bitcast_convert_type3A_224 = tpu.bitcast %get3A_214 : vector<16xi32> -> vector<16xf32>
        %sub3A_225 = arith.subf %bitcast_convert_type3A_218, %bitcast_convert_type3A_222 : vector<16xf32>
        %sub3A_226 = arith.subf %bitcast_convert_type3A_223, %bitcast_convert_type3A_224 : vector<16xf32>
        %mul3A_227 = arith.mulf %sub3A_225, %sub3A_225 : vector<16xf32>
        %add3A_228 = arith.addf %scan3A_135, %mul3A_227 : vector<16xf32>
        %mul3A_229 = arith.mulf %sub3A_226, %sub3A_226 : vector<16xf32>
        %add3A_230 = arith.addf %scan3A_136, %mul3A_229 : vector<16xf32>
        %mul3A_231 = arith.constant 2 : i32
        %mul3A_232 = arith.muli %mul3A_231, %scan3A_128 : i32
        %add3A_233 = arith.constant 1 : i32
        %add3A_234 = arith.addi %mul3A_232, %add3A_233 : i32
        %get3A_235 = arith.index_cast %add3A_234 : i32 to index
        %get3A_236 = arith.constant 0 : index
        %get3A_237 = tpu.vector_load %arg9[%get3A_235, %get3A_236] {strides = array<i32>} : memref<128x64xi32, #tpu.memory_space<vmem>>, vector<1x16xi32>,
        %get3A_238 = vector.shape_cast %get3A_237 : vector<1x16xi32> to vector<16xi32>
        %get3A_239 = arith.index_cast %add3A_234 : i32 to index
        %get3A_240 = arith.constant 0 : index
        %get3A_241 = tpu.vector_load %arg10[%get3A_239, %get3A_240] {strides = array<i32>} : memref<128x64xi32, #tpu.memory_space<vmem>>, vector<1x16xi32>,
        %get3A_242 = vector.shape_cast %get3A_241 : vector<1x16xi32> to vector<16xi32>
        %shift_left3A_243 = arith.constant 16 : i32
        %shift_left3A_244 = vector.broadcast %shift_left3A_243 : i32 to vector<16xi32>
        %shift_left3A_245 = arith.shli %get3A_238, %shift_left3A_244 : vector<16xi32>
        %bitcast_convert_type3A_246 = tpu.bitcast %shift_left3A_245 : vector<16xi32> -> vector<16xf32>
        %shift_left3A_247 = arith.constant 16 : i32
        %shift_left3A_248 = vector.broadcast %shift_left3A_247 : i32 to vector<16xi32>
        %shift_left3A_249 = arith.shli %get3A_242, %shift_left3A_248 : vector<16xi32>
        %bitcast_convert_type3A_250 = tpu.bitcast %shift_left3A_249 : vector<16xi32> -> vector<16xf32>
        %bitcast_convert_type3A_251 = tpu.bitcast %get3A_238 : vector<16xi32> -> vector<16xf32>
        %bitcast_convert_type3A_252 = tpu.bitcast %get3A_242 : vector<16xi32> -> vector<16xf32>
        %sub3A_253 = arith.subf %bitcast_convert_type3A_246, %bitcast_convert_type3A_250 : vector<16xf32>
        %sub3A_254 = arith.subf %bitcast_convert_type3A_251, %bitcast_convert_type3A_252 : vector<16xf32>
        %mul3A_255 = arith.mulf %sub3A_253, %sub3A_253 : vector<16xf32>
        %add3A_256 = arith.addf %add3A_156, %mul3A_255 : vector<16xf32>
        %mul3A_257 = arith.mulf %sub3A_254, %sub3A_254 : vector<16xf32>
        %add3A_258 = arith.addf %add3A_158, %mul3A_257 : vector<16xf32>
        %get3A_259 = arith.index_cast %add3A_234 : i32 to index
        %get3A_260 = arith.constant 16 : index
        %get3A_261 = tpu.vector_load %arg9[%get3A_259, %get3A_260] {strides = array<i32>} : memref<128x64xi32, #tpu.memory_space<vmem>>, vector<1x16xi32>,
        %get3A_262 = vector.shape_cast %get3A_261 : vector<1x16xi32> to vector<16xi32>
        %get3A_263 = arith.index_cast %add3A_234 : i32 to index
        %get3A_264 = arith.constant 16 : index
        %get3A_265 = tpu.vector_load %arg10[%get3A_263, %get3A_264] {strides = array<i32>} : memref<128x64xi32, #tpu.memory_space<vmem>>, vector<1x16xi32>,
        %get3A_266 = vector.shape_cast %get3A_265 : vector<1x16xi32> to vector<16xi32>
        %shift_left3A_267 = arith.constant 16 : i32
        %shift_left3A_268 = vector.broadcast %shift_left3A_267 : i32 to vector<16xi32>
        %shift_left3A_269 = arith.shli %get3A_262, %shift_left3A_268 : vector<16xi32>
        %bitcast_convert_type3A_270 = tpu.bitcast %shift_left3A_269 : vector<16xi32> -> vector<16xf32>
        %shift_left3A_271 = arith.constant 16 : i32
        %shift_left3A_272 = vector.broadcast %shift_left3A_271 : i32 to vector<16xi32>
        %shift_left3A_273 = arith.shli %get3A_266, %shift_left3A_272 : vector<16xi32>
        %bitcast_convert_type3A_274 = tpu.bitcast %shift_left3A_273 : vector<16xi32> -> vector<16xf32>
        %bitcast_convert_type3A_275 = tpu.bitcast %get3A_262 : vector<16xi32> -> vector<16xf32>
        %bitcast_convert_type3A_276 = tpu.bitcast %get3A_266 : vector<16xi32> -> vector<16xf32>
        %sub3A_277 = arith.subf %bitcast_convert_type3A_270, %bitcast_convert_type3A_274 : vector<16xf32>
        %sub3A_278 = arith.subf %bitcast_convert_type3A_275, %bitcast_convert_type3A_276 : vector<16xf32>
        %mul3A_279 = arith.mulf %sub3A_277, %sub3A_277 : vector<16xf32>
        %add3A_280 = arith.addf %add3A_180, %mul3A_279 : vector<16xf32>
        %mul3A_281 = arith.mulf %sub3A_278, %sub3A_278 : vector<16xf32>
        %add3A_282 = arith.addf %add3A_182, %mul3A_281 : vector<16xf32>
        %get3A_283 = arith.index_cast %add3A_234 : i32 to index
        %get3A_284 = arith.constant 32 : index
        %get3A_285 = tpu.vector_load %arg9[%get3A_283, %get3A_284] {strides = array<i32>} : memref<128x64xi32, #tpu.memory_space<vmem>>, vector<1x16xi32>,
        %get3A_286 = vector.shape_cast %get3A_285 : vector<1x16xi32> to vector<16xi32>
        %get3A_287 = arith.index_cast %add3A_234 : i32 to index
        %get3A_288 = arith.constant 32 : index
        %get3A_289 = tpu.vector_load %arg10[%get3A_287, %get3A_288] {strides = array<i32>} : memref<128x64xi32, #tpu.memory_space<vmem>>, vector<1x16xi32>,
        %get3A_290 = vector.shape_cast %get3A_289 : vector<1x16xi32> to vector<16xi32>
        %shift_left3A_291 = arith.constant 16 : i32
        %shift_left3A_292 = vector.broadcast %shift_left3A_291 : i32 to vector<16xi32>
        %shift_left3A_293 = arith.shli %get3A_286, %shift_left3A_292 : vector<16xi32>
        %bitcast_convert_type3A_294 = tpu.bitcast %shift_left3A_293 : vector<16xi32> -> vector<16xf32>
        %shift_left3A_295 = arith.constant 16 : i32
        %shift_left3A_296 = vector.broadcast %shift_left3A_295 : i32 to vector<16xi32>
        %shift_left3A_297 = arith.shli %get3A_290, %shift_left3A_296 : vector<16xi32>
        %bitcast_convert_type3A_298 = tpu.bitcast %shift_left3A_297 : vector<16xi32> -> vector<16xf32>
        %bitcast_convert_type3A_299 = tpu.bitcast %get3A_286 : vector<16xi32> -> vector<16xf32>
        %bitcast_convert_type3A_300 = tpu.bitcast %get3A_290 : vector<16xi32> -> vector<16xf32>
        %sub3A_301 = arith.subf %bitcast_convert_type3A_294, %bitcast_convert_type3A_298 : vector<16xf32>
        %sub3A_302 = arith.subf %bitcast_convert_type3A_299, %bitcast_convert_type3A_300 : vector<16xf32>
        %mul3A_303 = arith.mulf %sub3A_301, %sub3A_301 : vector<16xf32>
        %add3A_304 = arith.addf %add3A_204, %mul3A_303 : vector<16xf32>
        %mul3A_305 = arith.mulf %sub3A_302, %sub3A_302 : vector<16xf32>
        %add3A_306 = arith.addf %add3A_206, %mul3A_305 : vector<16xf32>
        %get3A_307 = arith.index_cast %add3A_234 : i32 to index
        %get3A_308 = arith.constant 48 : index
        %get3A_309 = tpu.vector_load %arg9[%get3A_307, %get3A_308] {strides = array<i32>} : memref<128x64xi32, #tpu.memory_space<vmem>>, vector<1x16xi32>,
        %get3A_310 = vector.shape_cast %get3A_309 : vector<1x16xi32> to vector<16xi32>
        %get3A_311 = arith.index_cast %add3A_234 : i32 to index
        %get3A_312 = arith.constant 48 : index
        %get3A_313 = tpu.vector_load %arg10[%get3A_311, %get3A_312] {strides = array<i32>} : memref<128x64xi32, #tpu.memory_space<vmem>>, vector<1x16xi32>,
        %get3A_314 = vector.shape_cast %get3A_313 : vector<1x16xi32> to vector<16xi32>
        %shift_left3A_315 = arith.constant 16 : i32
        %shift_left3A_316 = vector.broadcast %shift_left3A_315 : i32 to vector<16xi32>
        %shift_left3A_317 = arith.shli %get3A_310, %shift_left3A_316 : vector<16xi32>
        %bitcast_convert_type3A_318 = tpu.bitcast %shift_left3A_317 : vector<16xi32> -> vector<16xf32>
        %shift_left3A_319 = arith.constant 16 : i32
        %shift_left3A_320 = vector.broadcast %shift_left3A_319 : i32 to vector<16xi32>
        %shift_left3A_321 = arith.shli %get3A_314, %shift_left3A_320 : vector<16xi32>
        %bitcast_convert_type3A_322 = tpu.bitcast %shift_left3A_321 : vector<16xi32> -> vector<16xf32>
        %bitcast_convert_type3A_323 = tpu.bitcast %get3A_310 : vector<16xi32> -> vector<16xf32>
        %bitcast_convert_type3A_324 = tpu.bitcast %get3A_314 : vector<16xi32> -> vector<16xf32>
        %sub3A_325 = arith.subf %bitcast_convert_type3A_318, %bitcast_convert_type3A_322 : vector<16xf32>
        %sub3A_326 = arith.subf %bitcast_convert_type3A_323, %bitcast_convert_type3A_324 : vector<16xf32>
        %mul3A_327 = arith.mulf %sub3A_325, %sub3A_325 : vector<16xf32>
        %add3A_328 = arith.addf %add3A_228, %mul3A_327 : vector<16xf32>
        %mul3A_329 = arith.mulf %sub3A_326, %sub3A_326 : vector<16xf32>
        %add3A_330 = arith.addf %add3A_230, %mul3A_329 : vector<16xf32>
        scf.yield %add3A_256, %add3A_258, %add3A_280, %add3A_282, %add3A_304, %add3A_306, %add3A_328, %add3A_330 : vector<16xf32>, vector<16xf32>, vector<16xf32>, vector<16xf32>, vector<16xf32>, vector<16xf32>, vector<16xf32>, vector<16xf32>
      }
      %scan3A_127 = arith.constant 64 : i32
      scf.yield %scan3A_126#0, %scan3A_126#1, %scan3A_126#2, %scan3A_126#3, %scan3A_126#4, %scan3A_126#5, %scan3A_126#6, %scan3A_126#7 : vector<16xf32>, vector<16xf32>, vector<16xf32>, vector<16xf32>, vector<16xf32>, vector<16xf32>, vector<16xf32>, vector<16xf32>
    }
    %scan3A_28 = arith.constant 40 : i32
    %swap3A = arith.constant 0 : index
    %swap3A_29 = tpu.vector_load %arg6[%swap3A] {strides = array<i32>} : memref<128xf32, #tpu.memory_space<vmem>>, vector<16xf32>,
    %swap3A_30 = vector.shape_cast %swap3A_29 : vector<16xf32> to vector<16xf32>
    %swap3A_31 = vector.shape_cast %scan3A_27#0 : vector<16xf32> to vector<16xf32>
    tpu.vector_store %arg6[%swap3A], %swap3A_31 {strides = array<i32>} : memref<128xf32, #tpu.memory_space<vmem>>, vector<16xf32>,
    %swap3A_32 = arith.constant 16 : index
    %swap3A_33 = tpu.vector_load %arg6[%swap3A_32] {strides = array<i32>} : memref<128xf32, #tpu.memory_space<vmem>>, vector<16xf32>,
    %swap3A_34 = vector.shape_cast %swap3A_33 : vector<16xf32> to vector<16xf32>
    %swap3A_35 = vector.shape_cast %scan3A_27#1 : vector<16xf32> to vector<16xf32>
    tpu.vector_store %arg6[%swap3A_32], %swap3A_35 {strides = array<i32>} : memref<128xf32, #tpu.memory_space<vmem>>, vector<16xf32>,
    %swap3A_36 = arith.constant 32 : index
    %swap3A_37 = tpu.vector_load %arg6[%swap3A_36] {strides = array<i32>} : memref<128xf32, #tpu.memory_space<vmem>>, vector<16xf32>,
    %swap3A_38 = vector.shape_cast %swap3A_37 : vector<16xf32> to vector<16xf32>
    %swap3A_39 = vector.shape_cast %scan3A_27#2 : vector<16xf32> to vector<16xf32>
    tpu.vector_store %arg6[%swap3A_36], %swap3A_39 {strides = array<i32>} : memref<128xf32, #tpu.memory_space<vmem>>, vector<16xf32>,
    %swap3A_40 = arith.constant 48 : index
    %swap3A_41 = tpu.vector_load %arg6[%swap3A_40] {strides = array<i32>} : memref<128xf32, #tpu.memory_space<vmem>>, vector<16xf32>,
    %swap3A_42 = vector.shape_cast %swap3A_41 : vector<16xf32> to vector<16xf32>
    %swap3A_43 = vector.shape_cast %scan3A_27#3 : vector<16xf32> to vector<16xf32>
    tpu.vector_store %arg6[%swap3A_40], %swap3A_43 {strides = array<i32>} : memref<128xf32, #tpu.memory_space<vmem>>, vector<16xf32>,
    %swap3A_44 = arith.constant 64 : index
    %swap3A_45 = tpu.vector_load %arg6[%swap3A_44] {strides = array<i32>} : memref<128xf32, #tpu.memory_space<vmem>>, vector<16xf32>,
    %swap3A_46 = vector.shape_cast %swap3A_45 : vector<16xf32> to vector<16xf32>
    %swap3A_47 = vector.shape_cast %scan3A_27#4 : vector<16xf32> to vector<16xf32>
    tpu.vector_store %arg6[%swap3A_44], %swap3A_47 {strides = array<i32>} : memref<128xf32, #tpu.memory_space<vmem>>, vector<16xf32>,
    %swap3A_48 = arith.constant 80 : index
    %swap3A_49 = tpu.vector_load %arg6[%swap3A_48] {strides = array<i32>} : memref<128xf32, #tpu.memory_space<vmem>>, vector<16xf32>,
    %swap3A_50 = vector.shape_cast %swap3A_49 : vector<16xf32> to vector<16xf32>
    %swap3A_51 = vector.shape_cast %scan3A_27#5 : vector<16xf32> to vector<16xf32>
    tpu.vector_store %arg6[%swap3A_48], %swap3A_51 {strides = array<i32>} : memref<128xf32, #tpu.memory_space<vmem>>, vector<16xf32>,
    %swap3A_52 = arith.constant 96 : index
    %swap3A_53 = tpu.vector_load %arg6[%swap3A_52] {strides = array<i32>} : memref<128xf32, #tpu.memory_space<vmem>>, vector<16xf32>,
    %swap3A_54 = vector.shape_cast %swap3A_53 : vector<16xf32> to vector<16xf32>
    %swap3A_55 = vector.shape_cast %scan3A_27#6 : vector<16xf32> to vector<16xf32>
    tpu.vector_store %arg6[%swap3A_52], %swap3A_55 {strides = array<i32>} : memref<128xf32, #tpu.memory_space<vmem>>, vector<16xf32>,
    %swap3A_56 = arith.constant 112 : index
    %swap3A_57 = tpu.vector_load %arg6[%swap3A_56] {strides = array<i32>} : memref<128xf32, #tpu.memory_space<vmem>>, vector<16xf32>,
    %swap3A_58 = vector.shape_cast %swap3A_57 : vector<16xf32> to vector<16xf32>
    %swap3A_59 = vector.shape_cast %scan3A_27#7 : vector<16xf32> to vector<16xf32>
    tpu.vector_store %arg6[%swap3A_56], %swap3A_59 {strides = array<i32>} : memref<128xf32, #tpu.memory_space<vmem>>, vector<16xf32>,
    "tpu.region"() ({
      %run_scoped3A = tpu.sem_alloc : memref<!tpu.dma_semaphore, #tpu.memory_space<semaphore_mem>>
      %dma_start3A_60 = arith.constant 0 : i32
      %dma_start3A_61 = tpu.memref_slice %arg4[%add3A, %dma_start3A_60] : memref<32x128xf32, #tpu.memory_space<hbm>> -> memref<1x128xf32, #tpu.memory_space<hbm>>
      %dma_start3A_62 = tpu.memref_squeeze %dma_start3A_61 : memref<1x128xf32, #tpu.memory_space<hbm>> -> memref<128xf32, #tpu.memory_space<hbm>>
      %dma_start3A_63 = arith.constant 0 : i32
      %dma_start3A_64 = tpu.memref_slice %arg4[%add3A, %dma_start3A_63] : memref<32x128xf32, #tpu.memory_space<hbm>> -> memref<1x128xf32, #tpu.memory_space<hbm>>
      %dma_start3A_65 = tpu.memref_squeeze %dma_start3A_64 : memref<1x128xf32, #tpu.memory_space<hbm>> -> memref<128xf32, #tpu.memory_space<hbm>>
      tpu.enqueue_dma source(%arg6 : memref<128xf32, #tpu.memory_space<vmem>>) target(%dma_start3A_65 : memref<128xf32, #tpu.memory_space<hbm>>) target_semaphore(%run_scoped3A : memref<!tpu.dma_semaphore, #tpu.memory_space<semaphore_mem>>)
      %dma_wait3A = arith.constant 0 : i32
      %dma_wait3A_66 = tpu.memref_slice %arg4[%add3A, %dma_wait3A] : memref<32x128xf32, #tpu.memory_space<hbm>> -> memref<1x128xf32, #tpu.memory_space<hbm>>
      %dma_wait3A_67 = tpu.memref_squeeze %dma_wait3A_66 : memref<1x128xf32, #tpu.memory_space<hbm>> -> memref<128xf32, #tpu.memory_space<hbm>>
      %dma_wait3A_68 = arith.constant 0 : i32
      %dma_wait3A_69 = tpu.memref_slice %arg4[%add3A, %dma_wait3A_68] : memref<32x128xf32, #tpu.memory_space<hbm>> -> memref<1x128xf32, #tpu.memory_space<hbm>>
      %dma_wait3A_70 = tpu.memref_squeeze %dma_wait3A_69 : memref<1x128xf32, #tpu.memory_space<hbm>> -> memref<128xf32, #tpu.memory_space<hbm>>
      tpu.wait_dma2 semaphore(%run_scoped3A : memref<!tpu.dma_semaphore, #tpu.memory_space<semaphore_mem>>) src(%arg6 : memref<128xf32, #tpu.memory_space<vmem>>) dst(%dma_wait3A_70 : memref<128xf32, #tpu.memory_space<hbm>>)
      tpu.yield
    }) : () -> ()
    return
  }
}

module attributes {stable_mosaic.version = 14 : i64} {
  func.func @_scale_body(%arg0: memref<10000x128xf32, #tpu.memory_space<vmem>>, %arg1: memref<10000x1xi32, #tpu.memory_space<vmem>>, %arg2: memref<10000x1xf32, #tpu.memory_space<vmem>>, %arg3: memref<2x10240x1xf32, #tpu.memory_space<vmem>>, %arg4: memref<10240x64xi32, #tpu.memory_space<vmem>>, %arg5: memref<1x1xf32, #tpu.memory_space<vmem>>) attributes {dimension_semantics = [], scalar_prefetch = 0 : i64, scratch_operands = 0 : i64, tpu.core_type = #tpu.core_type<tc>} {
    %get3A = arith.constant 0 : index
    %get3A_0 = arith.constant 0 : index
    %get3A_1 = arith.constant 0 : index
    %get3A_2 = vector.load %arg3[%get3A, %get3A_0, %get3A_1] : memref<2x10240x1xf32, #tpu.memory_space<vmem>>, vector<1x10240x1xf32>
    %get3A_3 = vector.shape_cast %get3A_2 : vector<1x10240x1xf32> to vector<10240x1xf32>
    %get3A_4 = arith.constant 1 : index
    %get3A_5 = arith.constant 0 : index
    %get3A_6 = arith.constant 0 : index
    %get3A_7 = vector.load %arg3[%get3A_4, %get3A_5, %get3A_6] : memref<2x10240x1xf32, #tpu.memory_space<vmem>>, vector<1x10240x1xf32>
    %get3A_8 = vector.shape_cast %get3A_7 : vector<1x10240x1xf32> to vector<10240x1xf32>
    %add3A = arith.addf %get3A_3, %get3A_8 : vector<10240x1xf32>
    %rsqrt3A = math.rsqrt %add3A : vector<10240x1xf32>
    %get3A_9 = arith.constant 0 : index
    %get3A_10 = arith.constant 0 : index
    %get3A_11 = vector.load %arg0[%get3A_9, %get3A_10] : memref<10000x128xf32, #tpu.memory_space<vmem>>, vector<10000x128xf32>
    %slice3A = vector.extract_strided_slice %rsqrt3A {offsets = [0, 0], sizes = [10000, 1], strides = [1, 1]} : vector<10240x1xf32> to vector<10000x1xf32>
    %mul3A = vector.broadcast %slice3A : vector<10000x1xf32> to vector<10000x128xf32>
    %mul3A_12 = arith.mulf %get3A_11, %mul3A : vector<10000x128xf32>
    %slice3A_13 = vector.extract_strided_slice %mul3A_12 {offsets = [0, 0], sizes = [10000, 64], strides = [1, 1]} : vector<10000x128xf32> to vector<10000x64xf32>
    %slice3A_14 = vector.extract_strided_slice %mul3A_12 {offsets = [0, 64], sizes = [10000, 64], strides = [1, 1]} : vector<10000x128xf32> to vector<10000x64xf32>
    %bitcast_convert_type3A = tpu.bitcast %slice3A_13 : vector<10000x64xf32> -> vector<10000x64xi32>
    %bitcast_convert_type3A_15 = tpu.bitcast %slice3A_14 : vector<10000x64xf32> -> vector<10000x64xi32>
    %add3A_16 = arith.constant 32767 : i32
    %add3A_17 = vector.broadcast %add3A_16 : i32 to vector<10000x64xi32>
    %add3A_18 = arith.addi %bitcast_convert_type3A, %add3A_17 : vector<10000x64xi32>
    %shift_right_logical3A = arith.constant 16 : i32
    %shift_right_logical3A_19 = vector.broadcast %shift_right_logical3A : i32 to vector<10000x64xi32>
    %shift_right_logical3A_20 = arith.shrui %bitcast_convert_type3A, %shift_right_logical3A_19 : vector<10000x64xi32>
    %and3A = arith.constant 1 : i32
    %and3A_21 = vector.broadcast %and3A : i32 to vector<10000x64xi32>
    %and3A_22 = arith.andi %shift_right_logical3A_20, %and3A_21 : vector<10000x64xi32>
    %add3A_23 = arith.addi %add3A_18, %and3A_22 : vector<10000x64xi32>
    %shift_right_logical3A_24 = arith.constant 16 : i32
    %shift_right_logical3A_25 = vector.broadcast %shift_right_logical3A_24 : i32 to vector<10000x64xi32>
    %shift_right_logical3A_26 = arith.shrui %add3A_23, %shift_right_logical3A_25 : vector<10000x64xi32>
    %add3A_27 = arith.constant 32767 : i32
    %add3A_28 = vector.broadcast %add3A_27 : i32 to vector<10000x64xi32>
    %add3A_29 = arith.addi %bitcast_convert_type3A_15, %add3A_28 : vector<10000x64xi32>
    %shift_right_logical3A_30 = arith.constant 16 : i32
    %shift_right_logical3A_31 = vector.broadcast %shift_right_logical3A_30 : i32 to vector<10000x64xi32>
    %shift_right_logical3A_32 = arith.shrui %bitcast_convert_type3A_15, %shift_right_logical3A_31 : vector<10000x64xi32>
    %and3A_33 = arith.constant 1 : i32
    %and3A_34 = vector.broadcast %and3A_33 : i32 to vector<10000x64xi32>
    %and3A_35 = arith.andi %shift_right_logical3A_32, %and3A_34 : vector<10000x64xi32>
    %add3A_36 = arith.addi %add3A_29, %and3A_35 : vector<10000x64xi32>
    %and3A_37 = arith.constant -65536 : i32
    %and3A_38 = vector.broadcast %and3A_37 : i32 to vector<10000x64xi32>
    %and3A_39 = arith.andi %add3A_36, %and3A_38 : vector<10000x64xi32>
    %and3A_40 = arith.constant 65535 : i32
    %and3A_41 = vector.broadcast %and3A_40 : i32 to vector<10000x64xi32>
    %and3A_42 = arith.andi %shift_right_logical3A_26, %and3A_41 : vector<10000x64xi32>
    %or3A = arith.ori %and3A_42, %and3A_39 : vector<10000x64xi32>
    %swap3A = arith.constant 0 : index
    %swap3A_43 = arith.constant 0 : index
    %swap3A_44 = vector.load %arg4[%swap3A, %swap3A_43] : memref<10240x64xi32, #tpu.memory_space<vmem>>, vector<10000x64xi32>
    tpu.vector_store %arg4[%swap3A, %swap3A_43], %or3A {strides = array<i32>} : memref<10240x64xi32, #tpu.memory_space<vmem>>, vector<10000x64xi32>,
    %broadcast_in_dim3A = arith.constant 0 : i32
    %broadcast_in_dim3A_45 = vector.broadcast %broadcast_in_dim3A : i32 to vector<240x64xi32>
    %swap3A_46 = arith.constant 10000 : index
    %swap3A_47 = arith.constant 0 : index
    %swap3A_48 = vector.load %arg4[%swap3A_46, %swap3A_47] : memref<10240x64xi32, #tpu.memory_space<vmem>>, vector<240x64xi32>
    tpu.vector_store %arg4[%swap3A_46, %swap3A_47], %broadcast_in_dim3A_45 {strides = array<i32>} : memref<10240x64xi32, #tpu.memory_space<vmem>>, vector<240x64xi32>,
    %iota3A = tpu.iota {dimensions = array<i32: 1>} : vector<10000x128xi32>
    %get3A_49 = arith.constant 0 : index
    %get3A_50 = arith.constant 0 : index
    %get3A_51 = vector.load %arg1[%get3A_49, %get3A_50] : memref<10000x1xi32, #tpu.memory_space<vmem>>, vector<10000x1xi32>
    %eq3A = vector.broadcast %get3A_51 : vector<10000x1xi32> to vector<10000x128xi32>
    %eq3A_52 = arith.cmpi eq, %iota3A, %eq3A : vector<10000x128xi32>
    %convert_element_type3A = arith.extui %eq3A_52 : vector<10000x128xi1> to vector<10000x128xi32>
    %convert_element_type3A_53 = arith.sitofp %convert_element_type3A : vector<10000x128xi32> to vector<10000x128xf32>
    %get3A_54 = arith.constant 0 : index
    %get3A_55 = arith.constant 0 : index
    %get3A_56 = vector.load %arg2[%get3A_54, %get3A_55] : memref<10000x1xf32, #tpu.memory_space<vmem>>, vector<10000x1xf32>
    %mul3A_57 = vector.broadcast %get3A_56 : vector<10000x1xf32> to vector<10000x128xf32>
    %mul3A_58 = arith.mulf %convert_element_type3A_53, %mul3A_57 : vector<10000x128xf32>
    %get3A_59 = arith.constant 0 : index
    %get3A_60 = arith.constant 0 : index
    %get3A_61 = vector.load %arg0[%get3A_59, %get3A_60] : memref<10000x128xf32, #tpu.memory_space<vmem>>, vector<10000x128xf32>
    %neg3A = arith.constant 0.000000e+00 : f32
    %neg3A_62 = vector.broadcast %neg3A : f32 to vector<10000x128xf32>
    %neg3A_63 = arith.subf %neg3A_62, %get3A_61 : vector<10000x128xf32>
    %mul3A_64 = arith.mulf %mul3A_58, %neg3A_63 : vector<10000x128xf32>
    %reduce_sum3A = vector.shape_cast %mul3A_64 : vector<10000x128xf32> to vector<1x10000x128xf32>
    %reduce_sum3A_65 = arith.constant dense<0.000000e+00> : vector<1xf32>
    %reduce_sum3A_66 = vector.multi_reduction <add>, %reduce_sum3A, %reduce_sum3A_65 [1, 2] : vector<1x10000x128xf32> to vector<1xf32>
    %reduce_sum3A_67 = vector.shape_cast %reduce_sum3A_66 : vector<1xf32> to vector<1x1x1xf32>
    %reduce_sum3A_68 = vector.extract %reduce_sum3A_67[0, 0, 0] : f32 from vector<1x1x1xf32>
    %get3A_69 = arith.constant 0 : index
    %get3A_70 = arith.constant 0 : index
    %get3A_71 = vector.load %arg2[%get3A_69, %get3A_70] : memref<10000x1xf32, #tpu.memory_space<vmem>>, vector<10000x1xf32>
    %reduce_sum3A_72 = vector.shape_cast %get3A_71 : vector<10000x1xf32> to vector<1x10000x1xf32>
    %reduce_sum3A_73 = arith.constant dense<0.000000e+00> : vector<1xf32>
    %reduce_sum3A_74 = vector.multi_reduction <add>, %reduce_sum3A_72, %reduce_sum3A_73 [1, 2] : vector<1x10000x1xf32> to vector<1xf32>
    %reduce_sum3A_75 = vector.shape_cast %reduce_sum3A_74 : vector<1xf32> to vector<1x1x1xf32>
    %reduce_sum3A_76 = vector.extract %reduce_sum3A_75[0, 0, 0] : f32 from vector<1x1x1xf32>
    %max3A = arith.constant 1.000000e+00 : f32
    %max3A_77 = arith.maximumf %reduce_sum3A_76, %max3A : f32
    %div3A = arith.divf %reduce_sum3A_68, %max3A_77 : f32
    %reshape3A = vector.broadcast %div3A : f32 to vector<1x1xf32>
    %swap3A_78 = arith.constant 0 : index
    %swap3A_79 = arith.constant 0 : index
    %swap3A_80 = vector.load %arg5[%swap3A_78, %swap3A_79] : memref<1x1xf32, #tpu.memory_space<vmem>>, vector<1x1xf32>
    tpu.vector_store %arg5[%swap3A_78, %swap3A_79], %reshape3A {strides = array<i32>} : memref<1x1xf32, #tpu.memory_space<vmem>>, vector<1x1xf32>,
    return
  }
}

module attributes {stable_mosaic.version = 14 : i64} {
  func.func @_combine_body(%arg0: memref<32x128xf32, #tpu.memory_space<vmem>>, %arg1: memref<1x1xf32, #tpu.memory_space<vmem>>, %arg2: memref<1x1xf32, #tpu.memory_space<vmem>>) attributes {dimension_semantics = [], scalar_prefetch = 0 : i64, scratch_operands = 0 : i64, tpu.core_type = #tpu.core_type<tc>} {
    %get3A = arith.constant 0 : index
    %get3A_0 = arith.constant 0 : index
    %get3A_1 = vector.load %arg0[%get3A, %get3A_0] : memref<32x128xf32, #tpu.memory_space<vmem>>, vector<32x128xf32>
    %reduce_sum3A = vector.shape_cast %get3A_1 : vector<32x128xf32> to vector<1x32x128xf32>
    %reduce_sum3A_2 = arith.constant dense<0.000000e+00> : vector<1xf32>
    %reduce_sum3A_3 = vector.multi_reduction <add>, %reduce_sum3A, %reduce_sum3A_2 [1, 2] : vector<1x32x128xf32> to vector<1xf32>
    %reduce_sum3A_4 = vector.shape_cast %reduce_sum3A_3 : vector<1xf32> to vector<1x1x1xf32>
    %reduce_sum3A_5 = vector.extract %reduce_sum3A_4[0, 0, 0] : f32 from vector<1x1x1xf32>
    %div3A = arith.constant 4.096000e+07 : f32
    %div3A_6 = arith.divf %reduce_sum3A_5, %div3A : f32
    %get3A_7 = arith.constant 0 : index
    %get3A_8 = arith.constant 0 : index
    %get3A_9 = vector.load %arg1[%get3A_7, %get3A_8] : memref<1x1xf32, #tpu.memory_space<vmem>>, vector<1x1xf32>
    %reshape3A = vector.broadcast %div3A_6 : f32 to vector<1x1xf32>
    %mul3A = arith.constant 0.00999999977 : f32
    %mul3A_10 = vector.broadcast %mul3A : f32 to vector<1x1xf32>
    %mul3A_11 = arith.mulf %mul3A_10, %reshape3A : vector<1x1xf32>
    %add3A = arith.addf %get3A_9, %mul3A_11 : vector<1x1xf32>
    %swap3A = arith.constant 0 : index
    %swap3A_12 = arith.constant 0 : index
    %swap3A_13 = vector.load %arg2[%swap3A, %swap3A_12] : memref<1x1xf32, #tpu.memory_space<vmem>>, vector<1x1xf32>
    tpu.vector_store %arg2[%swap3A, %swap3A_12], %add3A {strides = array<i32>} : memref<1x1xf32, #tpu.memory_space<vmem>>, vector<1x1xf32>,
    return
  }
}

</mosaic_0001>

<sc_bundles>
// kernel: kernel.6.cloned.1.call-start
scs
__scs_entry_jumppad:
0x0: {  	(pc) =	sbr.rel $0x88, $3  }
0x1: {  	(tag) =	ssettag $0x0;
	lr =	simm.s32 $0x1  }
0x2: {  	[smem:$0x3F9D] =	sst lr;
	_ =	strace $0xD0000000  }
0x3: {  	_ = 	snop  }
0x4: {  	_ = 	snop  }
0x5: {  	_ = 	snop  }
0x6: {  	_ = 	snop  }
0x7: {  	_ = 	snop  }
__scs_overlays_trampoline_lowered:
0x8: {  	[smem:$0x3FAC] =	sst s0  }
0x9: {  	[smem:$0x3FAD] =	sst s1  }
0xa: {  	[smem:$0x3FAE] =	sst s2  }
0xb: {  	[smem:$0x3FAF] =	sst s3  }
0xc: {  	[smem:$0x3FB0] =	sst s4  }
0xd: {  	[smem:$0x3FB1] =	sst s5  }
0xe: {  	[smem:$0x3FB2] =	sst s6  }
0xf: {  	[smem:$0x3FB3] =	sst s7  }
0x10: {  	[smem:$0x3FB4] =	sst s8  }
0x11: {  	[smem:$0x3FB5] =	sst s9;
	s0 =	simm.s32 @!p0 $0x0  }
0x12: {  	s1 =	sld [smem:$0x3F9B];
	s0 =	simm.s32 @p0 $0x1  }
0x13: {  	[smem:$0x3FB6] =	sst s0;
	s0 =	simm.s32 @!p1 $0x0  }
0x14: {  	s2 =	sld [smem:$0x3F9A];
	s0 =	simm.s32 @p1 $0x1  }
0x15: {  	[smem:$0x3FB7] =	sst s0;
	s0 =	simm.s32 @!p2 $0x0  }
0x16: {  	s3 =	sld [smem:$0x3FDB];
	s0 =	simm.s32 @p2 $0x1  }
0x17: {  	s4 =	simm.s32 $0x1BF5;
	[smem:$0x3FB9] =	sst s0  }
0x18: {  	s0 =	sld [smem:$0x3F9C];
	_ =	swait.ge [sflag:s4], $0x0  }
0x19: {  	s7 =	sld [smem:$0x3F9D]  }
0x1a: {  	s8 =	sadd.s32 $0xFFFFE003, lr  }
0x1b: {  	s9 =	sadd.s32 $0xFFFFFEF7, lr;
	s5 =	simm.s32 $0xFFFFFFFF;
	p2 =	slt.u32 s8, $0xFFFFF086  }
0x1c: {  	p1 =	slt.u32 s9, $0xF7A;
	s5 =	simm.s32 @!p2 $0x0  }
0x1d: {  	s5 =	simm.s32 @p1 $0x1;
	p0 =	seq.s32 s7, s2  }
0x1e: {  	s7 =	smul.u32 @!p0 $0xF7A, s2;
	p2 =	seq.s32 @!p0 s5, $0x0  }
0x1f: {  	s9 =	smul.u32 $0xF7A, s1;
	s8 =	simm.s32 @!p0 $0x1BF5;
	p2 =	por !p2, p0  }
0x20: {  	[sflag:s8] =	ssyncset.s32 @!p0 $0xFFFFF086;
	s6 =	sadd.s32 @!p0 s3, s7;
	s7 =	simm.s32 @!p0 $0x108  }
0x21: {  	s3 =	sadd.s32 s3, s9;
	s6 =	sadd.s32 @!p0 $0x88, s6;
	s7 =	simm.s32 @p2 $0x1082  }
0x22: {  	[simem:s7], [sflag:s8] =	dma.local @!p0 [hbm:s6], $0xF7A  }
0x23: {  	s9 =	sor.u32 $0xD0000000, s2;
	s6 =	simm.s32 $0x108;
	_ =	swait.ge @!p0 [sflag:s8], $0x0  }
0x24: {  	s3 =	sadd.s32 $0x88, s3;
	s6 =	simm.s32 @!p1 $0x1082;
	[sflag:s4] =	ssyncset.s32 $0xFFFFF086  }
0x25: {  	[simem:s6], [sflag:s4] =	dma.local [hbm:s3], $0xF7A  }
0x26: {  	[smem:$0x3F9D] =	sst s1;
	(tag) =	ssettag s2;
	_ =	strace s9  }
0x27: {  	s1 =	sld [smem:$0x3FAD]  }
0x28: {  	s2 =	sld [smem:$0x3FAE]  }
0x29: {  	s4 =	sld [smem:$0x3FB0]  }
0x2a: {  	p0 =	seq.s32 s5, $0x0;
	s5 =	sld [smem:$0x3FB1]  }
0x2b: {  	s6 =	sld [smem:$0x3FB2]  }
0x2c: {  	s7 =	sld [smem:$0x3FB3]  }
0x2d: {  	s3 =	simm.s32 $0x108;
	s8 =	sld [smem:$0x3FB4]  }
0x2e: {  	s3 =	simm.s32 @!p0 $0x1082;
	s9 =	sld [smem:$0x3FB5]  }
0x2f: {  	lr =	sadd.s32 s0, s3;
	s0 =	sld [smem:$0x3FAC]  }
0x30: {  	s3 =	sld [smem:$0x3FAF]  }
0x31: {  	[smem:$0x3FB8] =	sst s10  }
0x32: {  	s10 =	sld [smem:$0x3FB6];
	_ =	sdelay $0x3  }
0x33: {  	p0 =	seq.s32 s10, $0x1;
	s10 =	sld [smem:$0x3FB8];
	_ =	sdelay $0x3  }
0x34: {  	[smem:$0x3FB8] =	sst s10  }
0x35: {  	s10 =	sld [smem:$0x3FB7];
	_ =	sdelay $0x3  }
0x36: {  	p1 =	seq.s32 s10, $0x1;
	s10 =	sld [smem:$0x3FB8];
	_ =	sdelay $0x3  }
0x37: {  	[smem:$0x3FB8] =	sst s10  }
0x38: {  	s10 =	sld [smem:$0x3FB9]  }
0x39: {  	_ = 	snop;
	(pc) =	sbr.ind lr, $3  }
0x3a: {  	_ = 	snop  }
0x3b: {  	_ = 	snop  }
0x3c: {  	p2 =	seq.s32 s10, $0x1;
	s10 =	sld [smem:$0x3FB8]  }
0x3d: {  	_ =	shalt  }
0x3e: {  	_ =	shalt  }
0x3f: {  	_ =	shalt  }
0x40: {  	_ =	shalt  }
0x41: {  	_ =	shalt  }
0x42: {  	_ =	shalt  }
0x43: {  	_ =	shalt  }
0x44: {  	_ =	shalt  }
0x45: {  	_ =	shalt  }
0x46: {  	_ =	shalt  }
0x47: {  	_ =	shalt  }
0x48: {  	_ =	shalt  }
0x49: {  	_ =	shalt  }
0x4a: {  	_ =	shalt  }
0x4b: {  	_ =	shalt  }
0x4c: {  	_ =	shalt  }
0x4d: {  	_ =	shalt  }
0x4e: {  	_ =	shalt  }
0x4f: {  	_ =	shalt  }
0x50: {  	_ =	shalt  }
0x51: {  	_ =	shalt  }
0x52: {  	_ =	shalt  }
0x53: {  	_ =	shalt  }
0x54: {  	_ =	shalt  }
0x55: {  	_ =	shalt  }
0x56: {  	_ =	shalt  }
0x57: {  	_ =	shalt  }
0x58: {  	_ =	shalt  }
0x59: {  	_ =	shalt  }
0x5a: {  	_ =	shalt  }
0x5b: {  	_ =	shalt  }
0x5c: {  	_ =	shalt  }
0x5d: {  	_ =	shalt  }
0x5e: {  	_ =	shalt  }
0x5f: {  	_ =	shalt  }
0x60: {  	_ =	shalt  }
0x61: {  	_ =	shalt  }
0x62: {  	_ =	shalt  }
0x63: {  	_ =	shalt  }
0x64: {  	_ =	shalt  }
0x65: {  	_ =	shalt  }
0x66: {  	_ =	shalt  }
0x67: {  	_ =	shalt  }
0x68: {  	_ =	shalt  }
0x69: {  	_ =	shalt  }
0x6a: {  	_ =	shalt  }
0x6b: {  	_ =	shalt  }
0x6c: {  	_ =	shalt  }
0x6d: {  	_ =	shalt  }
0x6e: {  	_ =	shalt  }
0x6f: {  	_ =	shalt  }
0x70: {  	_ =	shalt  }
0x71: {  	_ =	shalt  }
0x72: {  	_ =	shalt  }
0x73: {  	_ =	shalt  }
0x74: {  	_ =	shalt  }
0x75: {  	_ =	shalt  }
0x76: {  	_ =	shalt  }
0x77: {  	_ =	shalt  }
0x78: {  	_ =	shalt  }
0x79: {  	_ =	shalt  }
0x7a: {  	_ =	shalt  }
0x7b: {  	_ =	shalt  }
0x7c: {  	_ =	shalt  }
0x7d: {  	_ =	shalt  }
0x7e: {  	_ =	shalt  }
0x7f: {  	_ =	shalt  }
0x80: {  	_ =	shalt  }
0x81: {  	_ =	shalt  }
0x82: {  	_ =	shalt  }
0x83: {  	_ =	shalt  }
0x84: {  	_ =	shalt  }
0x85: {  	_ =	shalt  }
0x86: {  	_ =	shalt  }
0x87: {  	_ =	shalt  }
.Lfunc_end0:
.L_simem_size_0:
called_computation_lowered:
.L_overlay_start_0:
0x88: {  	s2 =	sld [smem:$0x3FD9]  }
0x89: {  	s3 =	sld [smem:$0x3FFE];
	_ =	sdelay $0x1  }
0x8a: {  	s1 =	srdreg.scid  }
0x8b: {  	s0 =	sand.u32 $0x1, s1  }
0x8c: {  	s16 =	sshll.u32 s0, $0xA;
	s2 =	sadd.s32 s3, s2  }
0x8d: {  	s2 =	sadd.s32 s2, s16  }
0x8e: {  	[smem:$0x3FC4] =	sst s2  }
0x8f: {  	_ = 	snop  }
0x90: {  	(tm) =	ssettm $0x1  }
0x91: {  	s17 =	sld [smem:$0x3FFB];
	_ =	sdelay $0x3  }
0x92: {  	_ =	strace s17  }
0x93: {  	s2 =	sld [smem:$0x3FFC];
	_ =	sdelay $0x3  }
0x94: {  	_ =	strace s2  }
0x95: {  	s2 =	sld [smem:$0x3FFD];
	_ =	sdelay $0x3  }
0x96: {  	_ =	strace s2  }
0x97: {  	_ =	strace $0x8FFFFFFF  }
0x98: {  	s18 =	sld [smem:$0x3FDB];
	_ =	sdelay $0x1  }
0x99: {  	s19 =	simm.s32 $_scs_section_size  }
0x9a: {  	s4 =	simm.s32 $_size__tile_overlayer_lowered;
	s5 =	simm.s32 $_tile_overlayer_lowered  }
0x9b: {  	s22 =	simm.s32 $0x1BFF;
	s21 =	sshll.u32 s5, $0x1;
	s2 =	sadd.s32 s19, s18  }
0x9c: {  	s6 =	simm.s32 $0x0;
	s20 =	sshll.u32 s4, $0x1;
	s4 =	sadd.s32 s21, s2  }
0x9d: {  	[timem:s6], [sflag:s22] =	dma.local [hbm:s4], s20  }
0x9e: {  	_ =	swait.ge [sflag:s22], s20  }
0x9f: {  	s3 =	ssub.s32 $0x0, s20;
	[sflag:s22] =	ssyncset.done $0x0  }
0xa0: {  	[sflag:s22] =	ssyncadd.s32 s3;
	_ =	sdelay $0x1  }
0xa1: {  	s23 =	simm.s32 $0x1B8B  }
0xa2: {  	_ =	swait.ge [sflag:s23], $0x1  }
0xa3: {  	[sflag:s23] =	ssyncset.done $0x0  }
0xa4: {  	s25 =	simm.s32 $0x1B8E;
	s24 =	sld [smem:$0x3FFE];
	[sflag:s23] =	ssyncadd.s32 $0xFFFFFFFF  }
0xa5: {  	s26 =	simm.s32 $execute0_lowered;
	[smem:$0x3FD2] =	sst s25  }
0xa6: {  	s4 =	sshll.u32 s26, $0x1;
	_ =	strace $0x80000046;
	[dreg:$0x1] =	wrdreg $0xFFFFFFFF  }
0xa7: {  	s28 =	simm.s32 $_size_execute0_lowered;
	s2 =	sadd.s32 s2, s4;
	[dreg:$0x0] =	wrdreg $0x0  }
0xa8: {  	s4 =	sshll.u32 s28, $0x1;
	[dreg:$0x2] =	wrdreg s2  }
0xa9: {  	[dreg:$0x3] =	wrdreg s4  }
0xaa: {  	[dreg:$0x4] =	wrdreg $0xC0  }
0xab: {  	_ =	task [dreg:s6], $0x5FFFF  }
0xac: {  	[dreg:$0x1] =	wrdreg $0xFFFFFFFF  }
0xad: {  	[dreg:$0x0] =	wrdreg $0x60  }
0xae: {  	[dreg:$0x2] =	wrdreg s24  }
0xaf: {  	[dreg:$0x3] =	wrdreg $0x2B000  }
0xb0: {  	[dreg:$0x4] =	wrdreg $0x9  }
0xb1: {  	_ =	task.clear_ibuf [dreg:s6], $0x5FFFF;
	_ =	strace $0x90000046  }
0xb2: {  	s29 =	simm.s32 $0x9;
	_ =	strace $0x80000048  }
0xb3: {  	_ =	swait.ge [sflag:s29], $0x1  }
0xb4: {  	[sflag:s29] =	ssyncadd.s32 $0xFFFFFFFF  }
0xb5: {  	_ =	strace $0x90000048  }
0xb6: {  	_ =	sfence  }
0xb7: {  	s30 =	sld [smem:$0x0];
	_ =	sdelay $0x2  }
0xb8: {  	s31 =	sshll.u32 s1, $0xD;
	s1 =	sshrl.u32 s1, $0x2  }
0xb9: {  	s3 =	sand.u32 $0x4000, s31;
	s1 =	sadd.s32 s1, s30  }
0xba: {  	s0 =	sor.u32 s3, s0;
	s1 =	sshll.u32 s1, $0x11  }
0xbb: {  	s0 =	sor.u32 s1, s0  }
0xbc: {  	s0 =	sadd.s32 $0x8F2B, s0  }
0xbd: {  	[sflag:s0] =	ssyncadd.remote.s32 $0x1  }
0xbe: {  	_ =	sfence.sel $0xFFFF  }
0xbf: {  	[dreg:$0x0] =	wrdreg $0xFFFFFFFF;
	(pc) =	sbr.abs _section_cstart, $3  }
0xc0: {  	[dreg:$0x1] =	wrdreg $0xFFFFFFFF  }
0xc1: {  	_ =	task.clear_ibuf [dreg:s6], $0x2FFFF;
	_ =	strace $0x9FFFFFFF  }
0xc2: {  	(tm) =	ssettm $0x7FFFFFFF  }
0xc3: {  	_ =	shalt  }
tec
execute0_lowered:
.L_overlay_start_1:
0x0: {  	(tag) =	ssettag $0x1  }
0x1: {  	s4 =	rddreg [dreg:$0x0]  }
0x2: {  	s2 =	rddreg [dreg:$0x1]  }
0x3: {  	s0 =	rddreg [dreg:$0x2];
	s3 =	srdreg.scid  }
0x4: {  	s1 =	stileid.u32;
	s10 =	simm.s32 $0x80;
	s11 =	simm.s32 $0x2800  }
0x5: {  	s12 =	simm.s32 $0x1;
	s5 =	sand.u32 $0x1, s3;
	s7 =	smul.u32 $0x280, s1  }
0x6: {  	s6 =	sshll.u32 s1, $0x1;
	s3 =	simm.s32 $0x0;
	s8 =	smul.u32 $0x2800, s5  }
0x7: {  	s13 =	simm.s32 $0x0;
	s6 =	sor.u32 s5, s6;
	[smem:$0x7FF] =	sst s3  }
0x8: {  	s5 =	ssub.s32 $0x2, s5;
	s6 =	smul.u32 $0x500, s6;
	s8 =	sadd.s32 s7, s8  }
0x9: {  	_ =	strace $0x80000047;
	s9 =	sshrl.u32 s5, $0x1;
	s8 =	sshrl.u32 s8, $0x3  }
0xa: {  	s9 =	ssub.s32 s5, s9;
	s6 =	sadd.s32 s6, s4;
	s8 =	sadd.s32 s8, s4  }
0xb: {  	s4 =	sadd.s32 s7, s2;
	s5 =	sadd.s32 $0x1000, s6;
	s7 =	smax.u32 s9, $0x1  }
0xc: {  	v0 =	vimm.f32 $0.0e+00;
	v1 =	vimm.f32 $1.000000000e+00;
	s9 =	simm.s32 $0x2;
	s6 =	sadd.s32 $0xB000, s8;
	s8 =	simm.s32 $0x2880  }
.LBB2_1:
0xd: {  	[tilespmem:$0x2880] =	vst v0  }
0xe: {  	[tilespmem:$0x2890] =	vst v0  }
0xf: {  	[tilespmem:$0x28A0] =	vst v0  }
0x10: {  	[tilespmem:$0x28B0] =	vst v0  }
0x11: {  	[tilespmem:$0x28C0] =	vst v0  }
0x12: {  	[tilespmem:$0x28D0] =	vst v0  }
0x13: {  	[tilespmem:$0x28E0] =	vst v0  }
0x14: {  	[tilespmem:$0x28F0] =	vst v0  }
0x15: {  	[tilespmem:$0x2900] =	vst v0  }
0x16: {  	[tilespmem:$0x2910] =	vst v0  }
0x17: {  	[tilespmem:$0x2920] =	vst v0  }
0x18: {  	[tilespmem:$0x2930] =	vst v0  }
0x19: {  	[tilespmem:$0x2940] =	vst v0  }
0x1a: {  	[tilespmem:$0x2950] =	vst v0  }
0x1b: {  	[tilespmem:$0x2960] =	vst v0  }
0x1c: {  	[tilespmem:$0x2970] =	vst v0  }
0x1d: {  	[tilespmem:$0x2980] =	vst v0  }
0x1e: {  	[tilespmem:$0x2990] =	vst v0  }
0x1f: {  	[tilespmem:$0x29A0] =	vst v0  }
0x20: {  	[tilespmem:$0x29B0] =	vst v0  }
0x21: {  	[tilespmem:$0x29C0] =	vst v0  }
0x22: {  	[tilespmem:$0x29D0] =	vst v0  }
0x23: {  	[tilespmem:$0x29E0] =	vst v0  }
0x24: {  	[tilespmem:$0x29F0] =	vst v0  }
0x25: {  	[tilespmem:$0x2A00] =	vst v0  }
0x26: {  	[tilespmem:$0x2A10] =	vst v0  }
0x27: {  	[tilespmem:$0x2A20] =	vst v0  }
0x28: {  	[tilespmem:$0x2A30] =	vst v0  }
0x29: {  	[tilespmem:$0x2A40] =	vst v0  }
0x2a: {  	[tilespmem:$0x2A50] =	vst v0  }
0x2b: {  	[tilespmem:$0x2A60] =	vst v0  }
0x2c: {  	[tilespmem:$0x2A70] =	vst v0  }
0x2d: {  	[tilespmem:$0x2A80] =	vst v0  }
0x2e: {  	[tilespmem:$0x2A90] =	vst v0  }
0x2f: {  	[tilespmem:$0x2AA0] =	vst v0  }
0x30: {  	[tilespmem:$0x2AB0] =	vst v0  }
0x31: {  	[tilespmem:$0x2AC0] =	vst v0  }
0x32: {  	[tilespmem:$0x2AD0] =	vst v0  }
0x33: {  	[tilespmem:$0x2AE0] =	vst v0  }
0x34: {  	[tilespmem:$0x2AF0] =	vst v0  }
0x35: {  	[spmem:s4] =	stream.linear.scatter [tilespmem:s8], [sflag:$0x2], $0x280, $0x38;
	[tilespmem:$0x2D80] =	vst v63  }
0x36: {  	_ =	swait.ge [sflag:s9], $0x280  }
0x37: {  	[sflag:s9] =	ssyncset.done $0x0  }
0x38: {  	[sflag:s9] =	ssyncadd.s32 $0xFFFFFD80  }
0x39: {  	[tilespmem:$0x2800] =	vst v1  }
0x3a: {  	[tilespmem:$0x2810] =	vst v1  }
0x3b: {  	[tilespmem:$0x2820] =	vst v1  }
0x3c: {  	[tilespmem:$0x2830] =	vst v1  }
0x3d: {  	[tilespmem:$0x2840] =	vst v1  }
0x3e: {  	[tilespmem:$0x2850] =	vst v1  }
0x3f: {  	[tilespmem:$0x2860] =	vst v1  }
0x40: {  	[tilespmem:$0x2870] =	vst v1  }
0x41: {  	[tilespmem:s3], [sflag:$0x2] =	stream.linear.gather [hbm4b:s5+s3], $0x2800, $0x38;
	[tilespmem:$0x2D80] =	vst v63  }
0x42: {  	_ =	swait.ge [sflag:s9], $0x2800  }
0x43: {  	[sflag:s9] =	ssyncset.done $0x0  }
0x44: {  	s14 =	simm.s32 $0x0;
	[sflag:s9] =	ssyncadd.s32 $0xFFFFD800  }
0x45: {  	v4 =	vld [tilespmem:s14+$0x0]  }
0x46: {  	v6 =	vld [tilespmem:s14+$0x10]  }
0x47: {  	v5 =	vld [tilespmem:s14+$0x20]  }
0x48: {  	v3 =	vld [tilespmem:s14+$0x30]  }
0x49: {  	v2 =	vld [tilespmem:s14+$0x40]  }
0x4a: {  	v7 =	vand.u32 $0x3FFF, v4;
	v4 =	vld [tilespmem:s14+$0x50]  }
0x4b: {  	s15 =	simm.s32 $0x200;
	[tilespmem:s14+$0x0] =	vst v7;
	v7 =	vand.u32 $0x3FFF, v6;
	v6 =	vld [tilespmem:s14+$0x60]  }
.LBB2_2:
0x4c: {  	s16 =	sshra.s32 s15, $0x2;
	p0 =	sne.s32 s15, $0x9E00;
	[tilespmem:s14+$0x10] =	vst v7;
	v5 =	vand.u32 $0x3FFF, v5;
	v7 =	vld [tilespmem:s14+$0x70]  }
0x4d: {  	v8 =	vld [tilespmem:s16+$0x0];
	[tilespmem:s14+$0x20] =	vst v5;
	v3 =	vand.u32 $0x3FFF, v3  }
0x4e: {  	v9 =	vld [tilespmem:s16+$0x10];
	[tilespmem:s14+$0x30] =	vst v3;
	v2 =	vand.u32 $0x3FFF, v2  }
.Ltmp0:
0x4f: {  	v5 =	vld [tilespmem:s16+$0x20];
	[tilespmem:s14+$0x40] =	vst v2;
	v2 =	vand.u32 $0x3FFF, v4;
	(pc) =	sbr.rel @p0 .LBB2_2-.Ltmp0, $4  }
0x50: {  	v3 =	vld [tilespmem:s16+$0x30];
	[tilespmem:s14+$0x50] =	vst v2;
	v4 =	vand.u32 $0x3FFF, v6  }
0x51: {  	v2 =	vld [tilespmem:s16+$0x40];
	[tilespmem:s14+$0x60] =	vst v4;
	v6 =	vand.u32 $0x3FFF, v7  }
0x52: {  	v7 =	vand.u32 $0x3FFF, v8;
	v4 =	vld [tilespmem:s16+$0x50];
	[tilespmem:s14+$0x70] =	vst v6;
	s14 =	smov.u32 s16  }
0x53: {  	s15 =	sadd.s32 $0x200, s15;
	[tilespmem:s14+$0x0] =	vst v7;
	v7 =	vand.u32 $0x3FFF, v9;
	v6 =	vld [tilespmem:s14+$0x60]  }
0x54: {  	[tilespmem:s14+$0x10] =	vst v7;
	v5 =	vand.u32 $0x3FFF, v5;
	v63 =	vld [tilespmem:s14+$0x70]  }
0x55: {  	[tilespmem:s14+$0x20] =	vst v5;
	v3 =	vand.u32 $0x3FFF, v3  }
0x56: {  	[tilespmem:s14+$0x30] =	vst v3;
	v2 =	vand.u32 $0x3FFF, v2  }
0x57: {  	[tilespmem:s14+$0x40] =	vst v2;
	v2 =	vand.u32 $0x3FFF, v4  }
0x58: {  	[tilespmem:s14+$0x50] =	vst v2;
	v2 =	vand.u32 $0x3FFF, v6  }
0x59: {  	[tilespmem:s14+$0x60] =	vst v2;
	v2 =	vand.u32 $0x3FFF, v63  }
0x5a: {  	[tilespmem:s14+$0x70] =	vst v2  }
0x5b: {  	s23 =	simm.s32 $0x0;
	[bflag:$0x0] =	sbarrier.arrive $0xFFFF  }
0x5c: {  	[spmem:s2] =	stream.indirect.scatter.add.f32 [tilespmem:s11], [sflag:$0x1], $0x1, s23, s10, $0xb8;
	[tilespmem:$0x2D80] =	vst v63  }
0x5d: {  	s24 =	simm.s32 $0x80  }
0x5e: {  	[spmem:s2] =	stream.indirect.scatter.add.f32 [tilespmem:s11], [sflag:$0x1], $0x1, s24, s10, $0xb8;
	[tilespmem:$0x2D80] =	vst v63  }
0x5f: {  	s25 =	simm.s32 $0x100  }
0x60: {  	[spmem:s2] =	stream.indirect.scatter.add.f32 [tilespmem:s11], [sflag:$0x1], $0x1, s25, s10, $0xb8;
	[tilespmem:$0x2D80] =	vst v63  }
0x61: {  	s26 =	simm.s32 $0x180  }
0x62: {  	[spmem:s2] =	stream.indirect.scatter.add.f32 [tilespmem:s11], [sflag:$0x1], $0x1, s26, s10, $0xb8;
	[tilespmem:$0x2D80] =	vst v63  }
0x63: {  	s28 =	simm.s32 $0x200  }
0x64: {  	[spmem:s2] =	stream.indirect.scatter.add.f32 [tilespmem:s11], [sflag:$0x1], $0x1, s28, s10, $0xb8;
	[tilespmem:$0x2D80] =	vst v63  }
0x65: {  	s29 =	simm.s32 $0x280  }
0x66: {  	[spmem:s2] =	stream.indirect.scatter.add.f32 [tilespmem:s11], [sflag:$0x1], $0x1, s29, s10, $0xb8;
	[tilespmem:$0x2D80] =	vst v63  }
0x67: {  	s30 =	simm.s32 $0x300  }
0x68: {  	[spmem:s2] =	stream.indirect.scatter.add.f32 [tilespmem:s11], [sflag:$0x1], $0x1, s30, s10, $0xb8;
	[tilespmem:$0x2D80] =	vst v63  }
0x69: {  	s31 =	simm.s32 $0x380  }
0x6a: {  	[spmem:s2] =	stream.indirect.scatter.add.f32 [tilespmem:s11], [sflag:$0x1], $0x1, s31, s10, $0xb8;
	[tilespmem:$0x2D80] =	vst v63  }
0x6b: {  	_ =	swait.ge [sflag:s12], $0x80  }
0x6c: {  	[sflag:s12] =	ssyncset.done $0x0  }
0x6d: {  	[sflag:s12] =	ssyncadd.s32 $0xFFFFFF80  }
0x6e: {  	_ =	swait.ge [sflag:s12], $0x80  }
0x6f: {  	[sflag:s12] =	ssyncset.done $0x0  }
0x70: {  	[sflag:s12] =	ssyncadd.s32 $0xFFFFFF80  }
0x71: {  	_ =	swait.ge [sflag:s12], $0x80  }
0x72: {  	[sflag:s12] =	ssyncset.done $0x0  }
0x73: {  	[sflag:s12] =	ssyncadd.s32 $0xFFFFFF80  }
0x74: {  	_ =	swait.ge [sflag:s12], $0x80  }
0x75: {  	[sflag:s12] =	ssyncset.done $0x0  }
0x76: {  	[sflag:s12] =	ssyncadd.s32 $0xFFFFFF80  }
0x77: {  	_ =	swait.ge [sflag:s12], $0x80  }
0x78: {  	[sflag:s12] =	ssyncset.done $0x0  }
0x79: {  	[sflag:s12] =	ssyncadd.s32 $0xFFFFFF80  }
0x7a: {  	_ =	swait.ge [sflag:s12], $0x80  }
0x7b: {  	[sflag:s12] =	ssyncset.done $0x0  }
0x7c: {  	[sflag:s12] =	ssyncadd.s32 $0xFFFFFF80  }
0x7d: {  	_ =	swait.ge [sflag:s12], $0x80  }
0x7e: {  	[sflag:s12] =	ssyncset.done $0x0  }
0x7f: {  	[sflag:s12] =	ssyncadd.s32 $0xFFFFFF80  }
0x80: {  	_ =	swait.ge [sflag:s12], $0x80  }
0x81: {  	s16 =	simm.s32 $0x2000;
	s14 =	simm.s32 $0x1000;
	[sflag:s12] =	ssyncset.done $0x0  }
.LBB2_4:
0x82: {  	s17 =	sshra.s32 s14, $0x2  }
0x83: {  	[sflag:s12] =	ssyncadd.s32 $0xFFFFFF80;
	s14 =	smov.u32 s16;
	s15 =	sadd.s32 $0x1000, s16  }
0x84: {  	[spmem:s2] =	stream.indirect.scatter.add.f32 [tilespmem:s11], [sflag:$0x1], $0x1, s17, s10, $0xb8;
	[tilespmem:$0x2D80] =	vst v63  }
0x85: {  	p0 =	sne.s32 s16, $0x9000;
	s16 =	sadd.s32 $0x80, s17  }
0x86: {  	[spmem:s2] =	stream.indirect.scatter.add.f32 [tilespmem:s11], [sflag:$0x1], $0x1, s16, s10, $0xb8;
	[tilespmem:$0x2D80] =	vst v63  }
0x87: {  	s16 =	sadd.s32 $0x100, s17  }
0x88: {  	[spmem:s2] =	stream.indirect.scatter.add.f32 [tilespmem:s11], [sflag:$0x1], $0x1, s16, s10, $0xb8;
	[tilespmem:$0x2D80] =	vst v63  }
0x89: {  	s16 =	sadd.s32 $0x180, s17  }
0x8a: {  	[spmem:s2] =	stream.indirect.scatter.add.f32 [tilespmem:s11], [sflag:$0x1], $0x1, s16, s10, $0xb8;
	[tilespmem:$0x2D80] =	vst v63  }
0x8b: {  	s16 =	sadd.s32 $0x200, s17  }
0x8c: {  	[spmem:s2] =	stream.indirect.scatter.add.f32 [tilespmem:s11], [sflag:$0x1], $0x1, s16, s10, $0xb8;
	[tilespmem:$0x2D80] =	vst v63  }
0x8d: {  	s16 =	sadd.s32 $0x280, s17  }
0x8e: {  	[spmem:s2] =	stream.indirect.scatter.add.f32 [tilespmem:s11], [sflag:$0x1], $0x1, s16, s10, $0xb8;
	[tilespmem:$0x2D80] =	vst v63  }
0x8f: {  	s16 =	sadd.s32 $0x300, s17  }
0x90: {  	[spmem:s2] =	stream.indirect.scatter.add.f32 [tilespmem:s11], [sflag:$0x1], $0x1, s16, s10, $0xb8;
	[tilespmem:$0x2D80] =	vst v63  }
0x91: {  	s16 =	sadd.s32 $0x380, s17  }
0x92: {  	[spmem:s2] =	stream.indirect.scatter.add.f32 [tilespmem:s11], [sflag:$0x1], $0x1, s16, s10, $0xb8;
	[tilespmem:$0x2D80] =	vst v63  }
0x93: {  	_ =	swait.ge [sflag:s12], $0x80  }
0x94: {  	[sflag:s12] =	ssyncset.done $0x0  }
0x95: {  	[sflag:s12] =	ssyncadd.s32 $0xFFFFFF80  }
0x96: {  	_ =	swait.ge [sflag:s12], $0x80  }
0x97: {  	[sflag:s12] =	ssyncset.done $0x0  }
0x98: {  	[sflag:s12] =	ssyncadd.s32 $0xFFFFFF80  }
0x99: {  	_ =	swait.ge [sflag:s12], $0x80  }
0x9a: {  	[sflag:s12] =	ssyncset.done $0x0  }
0x9b: {  	[sflag:s12] =	ssyncadd.s32 $0xFFFFFF80  }
0x9c: {  	_ =	swait.ge [sflag:s12], $0x80  }
0x9d: {  	[sflag:s12] =	ssyncset.done $0x0  }
0x9e: {  	[sflag:s12] =	ssyncadd.s32 $0xFFFFFF80  }
0x9f: {  	_ =	swait.ge [sflag:s12], $0x80  }
0xa0: {  	[sflag:s12] =	ssyncset.done $0x0  }
0xa1: {  	[sflag:s12] =	ssyncadd.s32 $0xFFFFFF80  }
0xa2: {  	_ =	swait.ge [sflag:s12], $0x80  }
0xa3: {  	[sflag:s12] =	ssyncset.done $0x0  }
0xa4: {  	[sflag:s12] =	ssyncadd.s32 $0xFFFFFF80  }
.Ltmp1:
0xa5: {  	_ =	swait.ge [sflag:s12], $0x80;
	(pc) =	sbr.rel @p0 .LBB2_4-.Ltmp1, $4  }
0xa6: {  	[sflag:s12] =	ssyncset.done $0x0  }
0xa7: {  	[sflag:s12] =	ssyncadd.s32 $0xFFFFFF80  }
0xa8: {  	_ =	swait.ge [sflag:s12], $0x80  }
0xa9: {  	s16 =	smov.u32 s15;
	[sflag:s12] =	ssyncset.done $0x0  }
0xaa: {  	s14 =	sshra.s32 s14, $0x2;
	[sflag:s12] =	ssyncadd.s32 $0xFFFFFF80  }
0xab: {  	[spmem:s2] =	stream.indirect.scatter.add.f32 [tilespmem:s11], [sflag:$0x1], $0x1, s14, s10, $0xb8;
	[tilespmem:$0x2D80] =	vst v63  }
0xac: {  	s15 =	sadd.s32 $0x80, s14  }
0xad: {  	[spmem:s2] =	stream.indirect.scatter.add.f32 [tilespmem:s11], [sflag:$0x1], $0x1, s15, s10, $0xb8;
	[tilespmem:$0x2D80] =	vst v63  }
0xae: {  	s26 =	sadd.s32 $0x100, s14  }
0xaf: {  	[spmem:s2] =	stream.indirect.scatter.add.f32 [tilespmem:s11], [sflag:$0x1], $0x1, s26, s10, $0xb8;
	[tilespmem:$0x2D80] =	vst v63  }
0xb0: {  	s28 =	sadd.s32 $0x180, s14  }
0xb1: {  	[spmem:s2] =	stream.indirect.scatter.add.f32 [tilespmem:s11], [sflag:$0x1], $0x1, s28, s10, $0xb8;
	[tilespmem:$0x2D80] =	vst v63  }
0xb2: {  	s29 =	sadd.s32 $0x200, s14  }
0xb3: {  	[spmem:s2] =	stream.indirect.scatter.add.f32 [tilespmem:s11], [sflag:$0x1], $0x1, s29, s10, $0xb8;
	[tilespmem:$0x2D80] =	vst v63  }
0xb4: {  	s30 =	sadd.s32 $0x280, s14  }
0xb5: {  	[spmem:s2] =	stream.indirect.scatter.add.f32 [tilespmem:s11], [sflag:$0x1], $0x1, s30, s10, $0xb8;
	[tilespmem:$0x2D80] =	vst v63  }
0xb6: {  	s31 =	sadd.s32 $0x300, s14  }
0xb7: {  	[spmem:s2] =	stream.indirect.scatter.add.f32 [tilespmem:s11], [sflag:$0x1], $0x1, s31, s10, $0xb8;
	[tilespmem:$0x2D80] =	vst v63  }
0xb8: {  	s14 =	sadd.s32 $0x380, s14  }
0xb9: {  	[spmem:s2] =	stream.indirect.scatter.add.f32 [tilespmem:s11], [sflag:$0x1], $0x1, s14, s10, $0xb8;
	[tilespmem:$0x2D80] =	vst v63  }
0xba: {  	_ =	swait.ge [sflag:s12], $0x80  }
0xbb: {  	[sflag:s12] =	ssyncset.done $0x0  }
0xbc: {  	[sflag:s12] =	ssyncadd.s32 $0xFFFFFF80  }
0xbd: {  	_ =	swait.ge [sflag:s12], $0x80  }
0xbe: {  	[sflag:s12] =	ssyncset.done $0x0  }
0xbf: {  	[sflag:s12] =	ssyncadd.s32 $0xFFFFFF80  }
0xc0: {  	_ =	swait.ge [sflag:s12], $0x80  }
0xc1: {  	[sflag:s12] =	ssyncset.done $0x0  }
0xc2: {  	[sflag:s12] =	ssyncadd.s32 $0xFFFFFF80  }
0xc3: {  	_ =	swait.ge [sflag:s12], $0x80  }
0xc4: {  	[sflag:s12] =	ssyncset.done $0x0  }
0xc5: {  	[sflag:s12] =	ssyncadd.s32 $0xFFFFFF80  }
0xc6: {  	_ =	swait.ge [sflag:s12], $0x80  }
0xc7: {  	[sflag:s12] =	ssyncset.done $0x0  }
0xc8: {  	[sflag:s12] =	ssyncadd.s32 $0xFFFFFF80  }
0xc9: {  	_ =	swait.ge [sflag:s12], $0x80  }
0xca: {  	[sflag:s12] =	ssyncset.done $0x0  }
0xcb: {  	[sflag:s12] =	ssyncadd.s32 $0xFFFFFF80  }
0xcc: {  	_ =	swait.ge [sflag:s12], $0x80  }
0xcd: {  	[sflag:s12] =	ssyncset.done $0x0  }
0xce: {  	[sflag:s12] =	ssyncadd.s32 $0xFFFFFF80  }
0xcf: {  	_ =	swait.ge [sflag:s12], $0x80  }
0xd0: {  	[sflag:s12] =	ssyncset.done $0x0  }
0xd1: {  	[sflag:s12] =	ssyncadd.s32 $0xFFFFFF80  }
0xd2: {  	[bflag:$0x0] =	sbarrier.arrive $0xFFFF  }
0xd3: {  	[tilespmem:s8], [sflag:$0x2] =	stream.linear.gather [spmem:s4], $0x280, $0x38;
	[tilespmem:$0x2D80] =	vst v63  }
0xd4: {  	s13 =	sadd.s32 $0x1, s13;
	_ =	swait.ge [sflag:s9], $0x280  }
0xd5: {  	p0 =	sne.s32 s13, s7;
	[sflag:s9] =	ssyncset.done $0x0  }
.Ltmp2:
0xd6: {  	[sflag:s9] =	ssyncadd.s32 $0xFFFFFD80;
	(pc) =	sbr.rel @p0 .LBB2_1-.Ltmp2, $4  }
0xd7: {  	[hbm4b:s6+s3] =	stream.linear.scatter [tilespmem:s8], [sflag:$0x2], $0x280, $0x38;
	[tilespmem:$0x2D80] =	vst v63  }
0xd8: {  	_ =	swait.ge [sflag:s9], $0x280  }
0xd9: {  	[sflag:s9] =	ssyncset.done $0x0  }
0xda: {  	[sflag:s9] =	ssyncadd.s32 $0xFFFFFD80  }
0xdb: {  	_ =	sfence.sel $0x180000  }
0xdc: {  	[bflag:$0x0] =	sbarrier.arrive $0xFFFF  }
0xdd: {  	p0 =	sne.s32 s1, $0x0;
	_ =	strace $0x90000047  }
0xde: {  	s0 =	sadd.s32 @!p0 $0x100000, s0;
	[bflag:$0x2] =	sbarrier.arrive $0xFFFF  }
0xdf: {  	[sflag:s0] =	ssyncadd.tile.s32 @!p0 $0x1;
	_ =	shalt  }
.Lfunc_end2:
_tile_overlayer_lowered:
.L_overlay_start_2:
0xe0: {  	(tag) =	ssettag $0x2  }
0xe1: {  	s0 =	rddreg [dreg:$0x0];
	s2 =	stileid.u32  }
0xe2: {  	s1 =	rddreg [dreg:$0x1];
	p0 =	sne.s32 s2, $0x0  }
0xe3: {  	s3 =	rddreg [dreg:$0x2];
	[bflag:$0x3] =	sbarrier.arrive $0xFFFF;
	s2 =	simm.s32 @!p0 $0x1C02  }
0xe4: {  	[timem:s3], [sflag:s2] =	dma.local @!p0 [hbm:s0], s1  }
0xe5: {  	s0 =	simm.s32 @!p0 $0x2  }
0xe6: {  	_ =	swait.ge @!p0 [sflag:s0], s1  }
0xe7: {  	s1 =	ssub.s32 @!p0 $0x0, s1;
	[sflag:s0] =	ssyncset.done @!p0 $0x0  }
0xe8: {  	[sflag:s0] =	ssyncadd.s32 @!p0 s1  }
0xe9: {  	[bflag:$0x3] =	sbarrier.arrive $0xFFFF  }
0xea: {  	_ =	shalt  }

// kernel: kernel.9.cloned.1.call-start
scs
__scs_entry_jumppad:
0x0: {  	(pc) =	sbr.rel $0x88, $3  }
0x1: {  	(tag) =	ssettag $0x0;
	lr =	simm.s32 $0x1  }
0x2: {  	[smem:$0x3F9D] =	sst lr;
	_ =	strace $0xD0000000  }
0x3: {  	_ = 	snop  }
0x4: {  	_ = 	snop  }
0x5: {  	_ = 	snop  }
0x6: {  	_ = 	snop  }
0x7: {  	_ = 	snop  }
__scs_overlays_trampoline_lowered:
0x8: {  	[smem:$0x3FAC] =	sst s0  }
0x9: {  	[smem:$0x3FAD] =	sst s1  }
0xa: {  	[smem:$0x3FAE] =	sst s2  }
0xb: {  	[smem:$0x3FAF] =	sst s3  }
0xc: {  	[smem:$0x3FB0] =	sst s4  }
0xd: {  	[smem:$0x3FB1] =	sst s5  }
0xe: {  	[smem:$0x3FB2] =	sst s6  }
0xf: {  	[smem:$0x3FB3] =	sst s7  }
0x10: {  	[smem:$0x3FB4] =	sst s8  }
0x11: {  	[smem:$0x3FB5] =	sst s9;
	s0 =	simm.s32 @!p0 $0x0  }
0x12: {  	s1 =	sld [smem:$0x3F9B];
	s0 =	simm.s32 @p0 $0x1  }
0x13: {  	[smem:$0x3FB6] =	sst s0;
	s0 =	simm.s32 @!p1 $0x0  }
0x14: {  	s2 =	sld [smem:$0x3F9A];
	s0 =	simm.s32 @p1 $0x1  }
0x15: {  	[smem:$0x3FB7] =	sst s0;
	s0 =	simm.s32 @!p2 $0x0  }
0x16: {  	s3 =	sld [smem:$0x3FDB];
	s0 =	simm.s32 @p2 $0x1  }
0x17: {  	s4 =	simm.s32 $0x1BF5;
	[smem:$0x3FB9] =	sst s0  }
0x18: {  	s0 =	sld [smem:$0x3F9C];
	_ =	swait.ge [sflag:s4], $0x0  }
0x19: {  	s7 =	sld [smem:$0x3F9D]  }
0x1a: {  	s8 =	sadd.s32 $0xFFFFE003, lr  }
0x1b: {  	s9 =	sadd.s32 $0xFFFFFEF7, lr;
	s5 =	simm.s32 $0xFFFFFFFF;
	p2 =	slt.u32 s8, $0xFFFFF086  }
0x1c: {  	p1 =	slt.u32 s9, $0xF7A;
	s5 =	simm.s32 @!p2 $0x0  }
0x1d: {  	s5 =	simm.s32 @p1 $0x1;
	p0 =	seq.s32 s7, s2  }
0x1e: {  	s7 =	smul.u32 @!p0 $0xF7A, s2;
	p2 =	seq.s32 @!p0 s5, $0x0  }
0x1f: {  	s9 =	smul.u32 $0xF7A, s1;
	s8 =	simm.s32 @!p0 $0x1BF5;
	p2 =	por !p2, p0  }
0x20: {  	[sflag:s8] =	ssyncset.s32 @!p0 $0xFFFFF086;
	s6 =	sadd.s32 @!p0 s3, s7;
	s7 =	simm.s32 @!p0 $0x108  }
0x21: {  	s3 =	sadd.s32 s3, s9;
	s6 =	sadd.s32 @!p0 $0x88, s6;
	s7 =	simm.s32 @p2 $0x1082  }
0x22: {  	[simem:s7], [sflag:s8] =	dma.local @!p0 [hbm:s6], $0xF7A  }
0x23: {  	s9 =	sor.u32 $0xD0000000, s2;
	s6 =	simm.s32 $0x108;
	_ =	swait.ge @!p0 [sflag:s8], $0x0  }
0x24: {  	s3 =	sadd.s32 $0x88, s3;
	s6 =	simm.s32 @!p1 $0x1082;
	[sflag:s4] =	ssyncset.s32 $0xFFFFF086  }
0x25: {  	[simem:s6], [sflag:s4] =	dma.local [hbm:s3], $0xF7A  }
0x26: {  	[smem:$0x3F9D] =	sst s1;
	(tag) =	ssettag s2;
	_ =	strace s9  }
0x27: {  	s1 =	sld [smem:$0x3FAD]  }
0x28: {  	s2 =	sld [smem:$0x3FAE]  }
0x29: {  	s4 =	sld [smem:$0x3FB0]  }
0x2a: {  	p0 =	seq.s32 s5, $0x0;
	s5 =	sld [smem:$0x3FB1]  }
0x2b: {  	s6 =	sld [smem:$0x3FB2]  }
0x2c: {  	s7 =	sld [smem:$0x3FB3]  }
0x2d: {  	s3 =	simm.s32 $0x108;
	s8 =	sld [smem:$0x3FB4]  }
0x2e: {  	s3 =	simm.s32 @!p0 $0x1082;
	s9 =	sld [smem:$0x3FB5]  }
0x2f: {  	lr =	sadd.s32 s0, s3;
	s0 =	sld [smem:$0x3FAC]  }
0x30: {  	s3 =	sld [smem:$0x3FAF]  }
0x31: {  	[smem:$0x3FB8] =	sst s10  }
0x32: {  	s10 =	sld [smem:$0x3FB6];
	_ =	sdelay $0x3  }
0x33: {  	p0 =	seq.s32 s10, $0x1;
	s10 =	sld [smem:$0x3FB8];
	_ =	sdelay $0x3  }
0x34: {  	[smem:$0x3FB8] =	sst s10  }
0x35: {  	s10 =	sld [smem:$0x3FB7];
	_ =	sdelay $0x3  }
0x36: {  	p1 =	seq.s32 s10, $0x1;
	s10 =	sld [smem:$0x3FB8];
	_ =	sdelay $0x3  }
0x37: {  	[smem:$0x3FB8] =	sst s10  }
0x38: {  	s10 =	sld [smem:$0x3FB9]  }
0x39: {  	_ = 	snop;
	(pc) =	sbr.ind lr, $3  }
0x3a: {  	_ = 	snop  }
0x3b: {  	_ = 	snop  }
0x3c: {  	p2 =	seq.s32 s10, $0x1;
	s10 =	sld [smem:$0x3FB8]  }
0x3d: {  	_ =	shalt  }
0x3e: {  	_ =	shalt  }
0x3f: {  	_ =	shalt  }
0x40: {  	_ =	shalt  }
0x41: {  	_ =	shalt  }
0x42: {  	_ =	shalt  }
0x43: {  	_ =	shalt  }
0x44: {  	_ =	shalt  }
0x45: {  	_ =	shalt  }
0x46: {  	_ =	shalt  }
0x47: {  	_ =	shalt  }
0x48: {  	_ =	shalt  }
0x49: {  	_ =	shalt  }
0x4a: {  	_ =	shalt  }
0x4b: {  	_ =	shalt  }
0x4c: {  	_ =	shalt  }
0x4d: {  	_ =	shalt  }
0x4e: {  	_ =	shalt  }
0x4f: {  	_ =	shalt  }
0x50: {  	_ =	shalt  }
0x51: {  	_ =	shalt  }
0x52: {  	_ =	shalt  }
0x53: {  	_ =	shalt  }
0x54: {  	_ =	shalt  }
0x55: {  	_ =	shalt  }
0x56: {  	_ =	shalt  }
0x57: {  	_ =	shalt  }
0x58: {  	_ =	shalt  }
0x59: {  	_ =	shalt  }
0x5a: {  	_ =	shalt  }
0x5b: {  	_ =	shalt  }
0x5c: {  	_ =	shalt  }
0x5d: {  	_ =	shalt  }
0x5e: {  	_ =	shalt  }
0x5f: {  	_ =	shalt  }
0x60: {  	_ =	shalt  }
0x61: {  	_ =	shalt  }
0x62: {  	_ =	shalt  }
0x63: {  	_ =	shalt  }
0x64: {  	_ =	shalt  }
0x65: {  	_ =	shalt  }
0x66: {  	_ =	shalt  }
0x67: {  	_ =	shalt  }
0x68: {  	_ =	shalt  }
0x69: {  	_ =	shalt  }
0x6a: {  	_ =	shalt  }
0x6b: {  	_ =	shalt  }
0x6c: {  	_ =	shalt  }
0x6d: {  	_ =	shalt  }
0x6e: {  	_ =	shalt  }
0x6f: {  	_ =	shalt  }
0x70: {  	_ =	shalt  }
0x71: {  	_ =	shalt  }
0x72: {  	_ =	shalt  }
0x73: {  	_ =	shalt  }
0x74: {  	_ =	shalt  }
0x75: {  	_ =	shalt  }
0x76: {  	_ =	shalt  }
0x77: {  	_ =	shalt  }
0x78: {  	_ =	shalt  }
0x79: {  	_ =	shalt  }
0x7a: {  	_ =	shalt  }
0x7b: {  	_ =	shalt  }
0x7c: {  	_ =	shalt  }
0x7d: {  	_ =	shalt  }
0x7e: {  	_ =	shalt  }
0x7f: {  	_ =	shalt  }
0x80: {  	_ =	shalt  }
0x81: {  	_ =	shalt  }
0x82: {  	_ =	shalt  }
0x83: {  	_ =	shalt  }
0x84: {  	_ =	shalt  }
0x85: {  	_ =	shalt  }
0x86: {  	_ =	shalt  }
0x87: {  	_ =	shalt  }
.Lfunc_end0:
.L_simem_size_0:
called_computation.1_lowered:
.L_overlay_start_0:
0x88: {  	s2 =	sld [smem:$0x3FD9]  }
0x89: {  	s3 =	sld [smem:$0x3FFE];
	_ =	sdelay $0x1  }
0x8a: {  	s1 =	srdreg.scid  }
0x8b: {  	s0 =	sand.u32 $0x1, s1  }
0x8c: {  	s16 =	sshll.u32 s0, $0xA;
	s2 =	sadd.s32 s3, s2  }
0x8d: {  	s2 =	sadd.s32 s2, s16  }
0x8e: {  	[smem:$0x3FC4] =	sst s2  }
0x8f: {  	_ = 	snop  }
0x90: {  	(tm) =	ssettm $0x1  }
0x91: {  	s17 =	sld [smem:$0x3FFB];
	_ =	sdelay $0x3  }
0x92: {  	_ =	strace s17  }
0x93: {  	s2 =	sld [smem:$0x3FFC];
	_ =	sdelay $0x3  }
0x94: {  	_ =	strace s2  }
0x95: {  	s2 =	sld [smem:$0x3FFD];
	_ =	sdelay $0x3  }
0x96: {  	_ =	strace s2  }
0x97: {  	_ =	strace $0x8FFFFFFF  }
0x98: {  	s18 =	sld [smem:$0x3FDB];
	_ =	sdelay $0x1  }
0x99: {  	s19 =	simm.s32 $_scs_section_size  }
0x9a: {  	s4 =	simm.s32 $_size__tile_overlayer_lowered;
	s5 =	simm.s32 $_tile_overlayer_lowered  }
0x9b: {  	s22 =	simm.s32 $0x1BFF;
	s21 =	sshll.u32 s5, $0x1;
	s2 =	sadd.s32 s19, s18  }
0x9c: {  	s6 =	simm.s32 $0x0;
	s20 =	sshll.u32 s4, $0x1;
	s4 =	sadd.s32 s21, s2  }
0x9d: {  	[timem:s6], [sflag:s22] =	dma.local [hbm:s4], s20  }
0x9e: {  	_ =	swait.ge [sflag:s22], s20  }
0x9f: {  	s3 =	ssub.s32 $0x0, s20;
	[sflag:s22] =	ssyncset.done $0x0  }
0xa0: {  	[sflag:s22] =	ssyncadd.s32 s3;
	_ =	sdelay $0x1  }
0xa1: {  	s23 =	simm.s32 $0x1B8B  }
0xa2: {  	_ =	swait.ge [sflag:s23], $0x1  }
0xa3: {  	[sflag:s23] =	ssyncset.done $0x0  }
0xa4: {  	s25 =	simm.s32 $0x1B8E;
	s24 =	sld [smem:$0x3FFE];
	[sflag:s23] =	ssyncadd.s32 $0xFFFFFFFF  }
0xa5: {  	s26 =	simm.s32 $execute0_lowered;
	[smem:$0x3FD2] =	sst s25  }
0xa6: {  	s4 =	sshll.u32 s26, $0x1;
	_ =	strace $0x80000049;
	[dreg:$0x1] =	wrdreg $0xFFFFFFFF  }
0xa7: {  	s28 =	simm.s32 $_size_execute0_lowered;
	s2 =	sadd.s32 s2, s4;
	[dreg:$0x0] =	wrdreg $0x0  }
0xa8: {  	s4 =	sshll.u32 s28, $0x1;
	[dreg:$0x2] =	wrdreg s2  }
0xa9: {  	[dreg:$0x3] =	wrdreg s4  }
0xaa: {  	[dreg:$0x4] =	wrdreg $0xC0  }
0xab: {  	_ =	task [dreg:s6], $0x5FFFF  }
0xac: {  	[dreg:$0x1] =	wrdreg $0xFFFFFFFF  }
0xad: {  	[dreg:$0x0] =	wrdreg $0x60  }
0xae: {  	[dreg:$0x2] =	wrdreg s24  }
0xaf: {  	[dreg:$0x3] =	wrdreg $0x9  }
0xb0: {  	_ =	task.clear_ibuf [dreg:s6], $0x4FFFF;
	_ =	strace $0x90000049  }
0xb1: {  	s29 =	simm.s32 $0x9;
	_ =	strace $0x8000004B  }
0xb2: {  	_ =	swait.ge [sflag:s29], $0x1  }
0xb3: {  	[sflag:s29] =	ssyncadd.s32 $0xFFFFFFFF  }
0xb4: {  	_ =	strace $0x9000004B  }
0xb5: {  	_ =	sfence  }
0xb6: {  	s30 =	sld [smem:$0x0];
	_ =	sdelay $0x2  }
0xb7: {  	s31 =	sshll.u32 s1, $0xD;
	s1 =	sshrl.u32 s1, $0x2  }
0xb8: {  	s3 =	sand.u32 $0x4000, s31;
	s1 =	sadd.s32 s1, s30  }
0xb9: {  	s0 =	sor.u32 s3, s0;
	s1 =	sshll.u32 s1, $0x11  }
0xba: {  	s0 =	sor.u32 s1, s0  }
0xbb: {  	s0 =	sadd.s32 $0x8F2B, s0  }
0xbc: {  	[sflag:s0] =	ssyncadd.remote.s32 $0x1  }
0xbd: {  	_ =	sfence.sel $0xFFFF  }
0xbe: {  	[dreg:$0x0] =	wrdreg $0xFFFFFFFF;
	(pc) =	sbr.abs _section_cstart, $3  }
0xbf: {  	[dreg:$0x1] =	wrdreg $0xFFFFFFFF  }
0xc0: {  	_ =	task.clear_ibuf [dreg:s6], $0x2FFFF;
	_ =	strace $0x9FFFFFFF  }
0xc1: {  	(tm) =	ssettm $0x7FFFFFFF  }
tec
execute0_lowered:
.L_overlay_start_1:
0x0: {  	(tag) =	ssettag $0x1  }
0x1: {  	s1 =	srdreg.scid  }
0x2: {  	s0 =	stileid.u32;
	s4 =	rddreg [dreg:$0x0];
	s2 =	simm.s32 $0x0  }
0x3: {  	s9 =	simm.s32 $0x5080;
	s10 =	simm.s32 $0x2800;
	s11 =	simm.s32 $0x7080  }
0x4: {  	s12 =	simm.s32 $0x9080;
	s13 =	simm.s32 $0xB080;
	s14 =	simm.s32 $0x1  }
0x5: {  	s15 =	simm.s32 $0x2;
	s16 =	simm.s32 $0x3;
	s17 =	simm.s32 $0x4  }
0x6: {  	s18 =	simm.s32 $0x5000;
	s5 =	sand.u32 $0x1, s1;
	s1 =	rddreg [dreg:$0x1]  }
0x7: {  	s19 =	simm.s32 $0x0;
	s3 =	sshll.u32 s0, $0x1;
	[smem:$0x7FF] =	sst s2  }
0x8: {  	s6 =	sor.u32 s5, s3;
	_ =	strace $0x8000004A;
	s5 =	ssub.s32 $0x2, s5  }
0x9: {  	s7 =	smul.u32 $0x500, s6;
	s6 =	sshll.u32 s6, $0x4;
	s8 =	sshrl.u32 s5, $0x1  }
0xa: {  	s3 =	sadd.s32 $0xB200, s4;
	s6 =	sadd.s32 s6, s4;
	s8 =	ssub.s32 s5, s8  }
0xb: {  	s7 =	sadd.s32 s7, s4;
	s5 =	sadd.s32 $0x1F200, s6;
	s6 =	smax.u32 s8, $0x1  }
0xc: {  	s8 =	simm.s32 $0x80;
	s4 =	sadd.s32 $0x1000, s7;
	s7 =	simm.s32 $0x5  }
.LBB2_1:
0xd: {  	[tilespmem:s2], [sflag:$0x5] =	stream.linear.gather [hbm4b:s4+s2], $0x2800, $0x38;
	[tilespmem:$0xD080] =	vst v63  }
0xe: {  	_ =	swait.ge [sflag:s7], $0x2800  }
0xf: {  	[sflag:s7] =	ssyncset.done $0x0  }
0x10: {  	s20 =	simm.s32 $0x40;
	[sflag:s7] =	ssyncadd.s32 $0xFFFFD800  }
0x11: {  	v3 =	vld [tilespmem:s20+$0xFFFFFFC0]  }
0x12: {  	v5 =	vld [tilespmem:s20+$0xFFFFFFD0]  }
0x13: {  	v4 =	vld [tilespmem:s20+$0xFFFFFFE0]  }
0x14: {  	v2 =	vld [tilespmem:s20+$0x0]  }
0x15: {  	v1 =	vld [tilespmem:s20+$0x10]  }
0x16: {  	s21 =	simm.s32 $0x300;
	v0 =	vshrl.u32 v3, $0xE;
	v6 =	vand.u32 $0x3FFF, v3;
	v3 =	vld [tilespmem:s20+$0x20]  }
.LBB2_2:
0x17: {  	p0 =	sne.s32 s21, $0x9F00;
	[tilespmem:s20+$0xFFFFFFC0] =	vst v6;
	v6 =	vshrl.u32 v5, $0xE;
	v5 =	vand.u32 $0x3FFF, v5;
	v7 =	vld [tilespmem:s20+$0x30]  }
0x18: {  	[tilespmem:s20+$0xFFFFFFD0] =	vst v5;
	v5 =	vshrl.u32 v4, $0xE;
	v4 =	vand.u32 $0x3FFF, v4;
	v8 =	vld [tilespmem:s20+$0xFFFFFFF0]  }
0x19: {  	[tilespmem:s20+$0xFFFFFFE0] =	vst v4;
	v9 =	vshrl.u32 v2, $0xE;
	v2 =	vand.u32 $0x3FFF, v2  }
0x1a: {  	[tilespmem:s20+$0x0] =	vst v2;
	v10 =	vshrl.u32 v1, $0xE;
	v1 =	vand.u32 $0x3FFF, v1  }
0x1b: {  	[tilespmem:s20+$0x10] =	vst v1;
	v11 =	vshrl.u32 v3, $0xE;
	v1 =	vand.u32 $0x3FFF, v3  }
0x1c: {  	[tilespmem:s20+$0x20] =	vst v1;
	v12 =	vshrl.u32 v7, $0xE;
	v1 =	vand.u32 $0x3FFF, v7  }
0x1d: {  	v2 =	vshrl.u32 v8, $0xE;
	v3 =	vand.u32 $0x3FFF, v8;
	[tilespmem:s20+$0x30] =	vst v1  }
0x1e: {  	[tilespmem:s20+$0x27C0] =	vst v0  }
0x1f: {  	[tilespmem:s20+$0x27D0] =	vst v6  }
0x20: {  	s22 =	sshra.s32 s21, $0x2;
	[tilespmem:s20+$0x27E0] =	vst v5  }
0x21: {  	v6 =	vld [tilespmem:s22+$0xFFFFFFC0];
	[tilespmem:s20+$0x27F0] =	vst v2  }
.Ltmp0:
0x22: {  	v5 =	vld [tilespmem:s22+$0xFFFFFFD0];
	[tilespmem:s20+$0xFFFFFFF0] =	vst v3;
	(pc) =	sbr.rel @p0 .LBB2_2-.Ltmp0, $4  }
0x23: {  	v4 =	vld [tilespmem:s22+$0xFFFFFFE0];
	[tilespmem:s20+$0x2800] =	vst v9  }
0x24: {  	v2 =	vld [tilespmem:s22+$0x0];
	[tilespmem:s20+$0x2810] =	vst v10  }
0x25: {  	v1 =	vld [tilespmem:s22+$0x10];
	[tilespmem:s20+$0x2820] =	vst v11  }
0x26: {  	s21 =	sadd.s32 $0x200, s21;
	v0 =	vshrl.u32 v6, $0xE;
	v6 =	vand.u32 $0x3FFF, v6;
	v3 =	vld [tilespmem:s22+$0x20];
	[tilespmem:s20+$0x2830] =	vst v12;
	s20 =	smov.u32 s22  }
0x27: {  	[tilespmem:s20+$0xFFFFFFC0] =	vst v6  }
0x28: {  	v6 =	vand.u32 $0x3FFF, v5;
	[tilespmem:s20+$0x27C0] =	vst v0  }
0x29: {  	v5 =	vshrl.u32 v5, $0xE;
	[tilespmem:s20+$0xFFFFFFD0] =	vst v6  }
0x2a: {  	v6 =	vand.u32 $0x3FFF, v4;
	[tilespmem:s20+$0x27D0] =	vst v5  }
0x2b: {  	v7 =	vld [tilespmem:s20+$0x30];
	v0 =	vshrl.u32 v4, $0xE;
	[tilespmem:s20+$0xFFFFFFE0] =	vst v6  }
0x2c: {  	v8 =	vld [tilespmem:s20+$0xFFFFFFF0];
	v6 =	vand.u32 $0x3FFF, v2;
	[tilespmem:s20+$0x27E0] =	vst v0  }
0x2d: {  	v2 =	vshrl.u32 v2, $0xE;
	[tilespmem:s20+$0x0] =	vst v6  }
0x2e: {  	v6 =	vand.u32 $0x3FFF, v1;
	[tilespmem:s20+$0x2800] =	vst v2  }
0x2f: {  	[tilespmem:s20+$0x10] =	vst v6;
	v6 =	vand.u32 $0x3FFF, v3  }
0x30: {  	[tilespmem:s20+$0x20] =	vst v6;
	v6 =	vand.u32 $0x3FFF, v7  }
0x31: {  	v4 =	vshrl.u32 v8, $0xE;
	[tilespmem:s20+$0x30] =	vst v6  }
0x32: {  	v0 =	vand.u32 $0x3FFF, v8;
	[tilespmem:s20+$0x27F0] =	vst v4  }
0x33: {  	[tilespmem:s20+$0xFFFFFFF0] =	vst v0;
	v0 =	vshrl.u32 v1, $0xE  }
0x34: {  	v1 =	vshrl.u32 v3, $0xE;
	[tilespmem:s20+$0x2810] =	vst v0  }
0x35: {  	v0 =	vshrl.u32 v7, $0xE;
	[tilespmem:s20+$0x2820] =	vst v1  }
0x36: {  	[tilespmem:s20+$0x2830] =	vst v0;
	s20 =	simm.s32 $0x0  }
0x37: {  	v9 =	vimm.f32 $0.0e+00;
	v5 =	vimm.f32 $0.0e+00;
	[tilespmem:s9], [sflag:$0x1] =	stream.indirect.gather [hbm4b:s3+s8], $0x40, s20, s8, $0xb8;
	[tilespmem:$0xD080] =	vst v63  }
0x38: {  	v2 =	vimm.f32 $0.0e+00;
	v3 =	vimm.f32 $0.0e+00;
	v4 =	vimm.f32 $0.0e+00  }
0x39: {  	v7 =	vimm.f32 $0.0e+00;
	v1 =	vimm.f32 $0.0e+00;
	v0 =	vimm.f32 $0.0e+00;
	[tilespmem:s11], [sflag:$0x2] =	stream.indirect.gather [hbm4b:s3+s8], $0x40, s10, s8, $0xb8;
	[tilespmem:$0xD080] =	vst v63  }
.LBB2_4:
0x3a: {  	s21 =	sshll.u32 s20, $0x8  }
0x3b: {  	s21 =	sand.u32 $0x3FFFFF00, s21  }
0x3c: {  	s22 =	sor.u32 $0x80, s21  }
0x3d: {  	[tilespmem:s12], [sflag:$0x3] =	stream.indirect.gather [hbm4b:s3+s8], $0x40, s22, s8, $0xb8;
	[tilespmem:$0xD080] =	vst v63  }
0x3e: {  	s30 =	sadd.s32 $0x2880, s21  }
0x3f: {  	[tilespmem:s13], [sflag:$0x4] =	stream.indirect.gather [hbm4b:s3+s8], $0x40, s30, s8, $0xb8;
	[tilespmem:$0xD080] =	vst v63  }
0x40: {  	_ =	swait.ge [sflag:s14], $0x2000  }
0x41: {  	[sflag:s14] =	ssyncset.done $0x0  }
0x42: {  	[sflag:s14] =	ssyncadd.s32 $0xFFFFE000  }
0x43: {  	_ =	swait.ge [sflag:s15], $0x2000  }
0x44: {  	[sflag:s15] =	ssyncset.done $0x0  }
0x45: {  	s31 =	simm.s32 $0x0;
	[sflag:s15] =	ssyncadd.s32 $0xFFFFE000  }
0x46: {  	v8 =	vld [tilespmem:s31+$0x70D0]  }
0x47: {  	v6 =	vld [tilespmem:s31+$0x70C0]  }
0x48: {  	v10 =	vld [tilespmem:s31+$0x50D0]  }
0x49: {  	v12 =	vld [tilespmem:s31+$0x50C0]  }
0x4a: {  	v19 =	vld [tilespmem:s31+$0x70F0]  }
0x4b: {  	v11 =	vld [tilespmem:s31+$0x50E0]  }
0x4c: {  	v23 =	vld [tilespmem:s31+$0x70B0]  }
0x4d: {  	v24 =	vld [tilespmem:s31+$0x50B0]  }
0x4e: {  	v16 =	vld [tilespmem:s31+$0x5090]  }
0x4f: {  	v18 =	vld [tilespmem:s31+$0x7080]  }
0x50: {  	v30 =	vld [tilespmem:s31+$0x50F0];
	v14 =	vshll.u32 v8, $0x10  }
0x51: {  	v13 =	vld [tilespmem:s31+$0x5080];
	v15 =	vshll.u32 v10, $0x10;
	v17 =	vshll.u32 v6, $0x10;
	v20 =	vshll.u32 v12, $0x10  }
0x52: {  	v26 =	vld [tilespmem:s31+$0x70A0];
	v12 =	vsub.f32 v12, v6;
	v31 =	vshll.u32 v19, $0x10;
	v14 =	vsub.f32 v15, v14  }
0x53: {  	v28 =	vshll.u32 v23, $0x10;
	v10 =	vsub.f32 v10, v8;
	v17 =	vsub.f32 v20, v17;
	v20 =	vld [tilespmem:s31+$0x7090]  }
0x54: {  	v22 =	vshll.u32 v16, $0x10;
	v25 =	vshll.u32 v18, $0x10;
	v6 =	vmul.f32 v14, v14;
	v14 =	vld [tilespmem:s31+$0x50A0]  }
0x55: {  	v21 =	vld [tilespmem:s31+$0x70E0];
	v29 =	vshll.u32 v24, $0x10;
	v33 =	vshll.u32 v30, $0x10;
	v19 =	vsub.f32 v30, v19  }
0x56: {  	v15 =	vshll.u32 v11, $0x10;
	v8 =	vmul.f32 v17, v17;
	v17 =	vshll.u32 v13, $0x10  }
0x57: {  	v29 =	vsub.f32 v29, v28;
	v12 =	vmul.f32 v12, v12;
	v32 =	vsub.f32 v17, v25  }
0x58: {  	v10 =	vmul.f32 v10, v10;
	v25 =	vshll.u32 v26, $0x10;
	v28 =	vshll.u32 v20, $0x10  }
0x59: {  	v27 =	vshll.u32 v14, $0x10;
	v17 =	vsub.f32 v14, v26;
	v14 =	vmul.f32 v32, v32  }
0x5a: {  	s22 =	simm.s32 $0x200;
	v26 =	vsub.f32 v24, v23;
	v24 =	vshll.u32 v21, $0x10;
	v23 =	vsub.f32 v33, v31  }
.LBB2_5:
0x5b: {  	s23 =	sshra.s32 s22, $0x2;
	p0 =	sne.s32 s22, $0x7E00;
	s22 =	sadd.s32 $0x200, s22;
	v13 =	vsub.f32 v13, v18;
	v18 =	vsub.f32 v27, v25;
	v25 =	vmul.f32 v29, v29  }
0x5c: {  	v22 =	vsub.f32 v22, v28;
	v16 =	vsub.f32 v16, v20;
	v20 =	vmul.f32 v26, v26;
	v27 =	vld [tilespmem:s23+$0x70D0]  }
0x5d: {  	v11 =	vsub.f32 v11, v21;
	v26 =	vld [tilespmem:s23+$0x70C0];
	v13 =	vmul.f32 v13, v13;
	v3 =	vadd.f32 v25, v3  }
0x5e: {  	v15 =	vsub.f32 v15, v24;
	v23 =	vmul.f32 v23, v23;
	v22 =	vmul.f32 v22, v22;
	v21 =	vld [tilespmem:s23+$0x50D0]  }
0x5f: {  	v7 =	vadd.f32 v20, v7;
	v20 =	vmul.f32 v11, v11;
	v24 =	vld [tilespmem:s23+$0x50C0];
	v5 =	vadd.f32 v13, v5  }
0x60: {  	v15 =	vmul.f32 v15, v15;
	v13 =	vmul.f32 v18, v18;
	v3 =	vadd.f32 v23, v3;
	v30 =	vld [tilespmem:s23+$0x70F0]  }
0x61: {  	v17 =	vmul.f32 v17, v17;
	v9 =	vadd.f32 v22, v9;
	v18 =	vshll.u32 v27, $0x10;
	v11 =	vld [tilespmem:s23+$0x50E0]  }
0x62: {  	v2 =	vadd.f32 v13, v2;
	v5 =	vadd.f32 v12, v5;
	v12 =	vmul.f32 v19, v19;
	v23 =	vld [tilespmem:s23+$0x70B0]  }
0x63: {  	v4 =	vadd.f32 v17, v4;
	v19 =	vshll.u32 v26, $0x10;
	v13 =	vld [tilespmem:s23+$0x5080];
	v22 =	vshll.u32 v21, $0x10  }
0x64: {  	v25 =	vmul.f32 v16, v16;
	v31 =	vld [tilespmem:s23+$0x50B0];
	v17 =	vshll.u32 v24, $0x10;
	v22 =	vsub.f32 v22, v18  }
0x65: {  	v2 =	vadd.f32 v15, v2;
	v17 =	vsub.f32 v17, v19;
	v19 =	vld [tilespmem:s23+$0x50F0];
	v32 =	vshll.u32 v30, $0x10  }
0x66: {  	v1 =	vadd.f32 v14, v1;
	v24 =	vsub.f32 v24, v26;
	v16 =	vld [tilespmem:s23+$0x5090];
	v15 =	vshll.u32 v11, $0x10  }
0x67: {  	v0 =	vadd.f32 v25, v0;
	v7 =	vadd.f32 v12, v7;
	v14 =	vmul.f32 v22, v22;
	v18 =	vld [tilespmem:s23+$0x7080]  }
0x68: {  	v1 =	vadd.f32 v8, v1;
	v4 =	vadd.f32 v20, v4;
	v12 =	vmul.f32 v24, v24;
	v26 =	vld [tilespmem:s23+$0x70A0]  }
0x69: {  	v0 =	vadd.f32 v10, v0;
	v28 =	vshll.u32 v23, $0x10;
	v8 =	vmul.f32 v17, v17;
	v24 =	vld [tilespmem:s23+$0x50A0]  }
0x6a: {  	v9 =	vadd.f32 v6, v9;
	v10 =	vsub.f32 v21, v27;
	v17 =	vshll.u32 v13, $0x10;
	v6 =	vmovc v14;
	v20 =	vld [tilespmem:s23+$0x7090]  }
0x6b: {  	v22 =	vshll.u32 v16, $0x10;
	v21 =	vld [tilespmem:s23+$0x70E0]  }
.Ltmp1:
0x6c: {  	v10 =	vmul.f32 v10, v10;
	v29 =	vshll.u32 v31, $0x10;
	v14 =	vshll.u32 v18, $0x10;
	(pc) =	sbr.rel @p0 .LBB2_5-.Ltmp1, $4  }
0x6d: {  	v33 =	vshll.u32 v19, $0x10;
	v14 =	vsub.f32 v17, v14;
	v25 =	vshll.u32 v26, $0x10  }
0x6e: {  	v29 =	vsub.f32 v29, v28;
	v27 =	vshll.u32 v24, $0x10;
	v17 =	vsub.f32 v24, v26  }
0x6f: {  	v26 =	vsub.f32 v31, v23;
	v14 =	vmul.f32 v14, v14;
	v28 =	vshll.u32 v20, $0x10  }
0x70: {  	v19 =	vsub.f32 v19, v30;
	v23 =	vsub.f32 v33, v32;
	v24 =	vshll.u32 v21, $0x10  }
0x71: {  	p0 =	seq.s32 s20, $0x27  }
0x72: {  	s22 =	sadd.s32 @!p0 $0x100, s21;
	s23 =	simm.s32 @!p0 $0x80;
	s24 =	simm.s32 @!p0 $0x5080  }
0x73: {  	[tilespmem:s24], [sflag:$0x1] =	stream.indirect.gather @!p0 [hbm4b:s3+s23], $0x40, s22, s23, $0xb8;
	[tilespmem:$0xD080] =	vst v63  }
0x74: {  	s21 =	sadd.s32 @!p0 $0x2900, s21;
	s22 =	simm.s32 @!p0 $0x7080  }
0x75: {  	[tilespmem:s22], [sflag:$0x2] =	stream.indirect.gather @!p0 [hbm4b:s3+s23], $0x40, s21, s23, $0xb8;
	[tilespmem:$0xD080] =	vst v63  }
0x76: {  	_ =	swait.ge [sflag:s16], $0x2000  }
0x77: {  	[sflag:s16] =	ssyncset.done $0x0  }
0x78: {  	[sflag:s16] =	ssyncadd.s32 $0xFFFFE000  }
0x79: {  	_ =	swait.ge [sflag:s17], $0x2000  }
0x7a: {  	v13 =	vsub.f32 v13, v18;
	v18 =	vmul.f32 v29, v29;
	[sflag:s17] =	ssyncset.done $0x0  }
0x7b: {  	v25 =	vsub.f32 v27, v25;
	s31 =	simm.s32 $0x0;
	[sflag:s17] =	ssyncadd.s32 $0xFFFFE000  }
0x7c: {  	v16 =	vsub.f32 v16, v20;
	v3 =	vadd.f32 v18, v3;
	v18 =	vld [tilespmem:s31+$0xB0D0]  }
0x7d: {  	v20 =	vmul.f32 v26, v26;
	v11 =	vsub.f32 v11, v21;
	v13 =	vmul.f32 v13, v13;
	v21 =	vld [tilespmem:s31+$0xB0C0]  }
0x7e: {  	v15 =	vsub.f32 v15, v24;
	v24 =	vld [tilespmem:s31+$0x90D0]  }
0x7f: {  	v7 =	vadd.f32 v20, v7;
	v5 =	vadd.f32 v13, v5;
	v13 =	vmul.f32 v25, v25;
	v20 =	vld [tilespmem:s31+$0x90C0]  }
0x80: {  	v22 =	vsub.f32 v22, v28;
	v17 =	vmul.f32 v17, v17;
	v23 =	vmul.f32 v23, v23;
	v30 =	vld [tilespmem:s31+$0xB0F0]  }
0x81: {  	v15 =	vmul.f32 v15, v15;
	v13 =	vadd.f32 v13, v2;
	v2 =	vadd.f32 v12, v5;
	v5 =	vld [tilespmem:s31+$0x90E0]  }
0x82: {  	v12 =	vmul.f32 v16, v16;
	v16 =	vmul.f32 v19, v19;
	v19 =	vld [tilespmem:s31+$0xB0B0]  }
0x83: {  	v22 =	vmul.f32 v22, v22;
	v17 =	vadd.f32 v17, v4;
	v4 =	vadd.f32 v15, v13;
	v13 =	vld [tilespmem:s31+$0x9080]  }
0x84: {  	v3 =	vadd.f32 v23, v3;
	v23 =	vld [tilespmem:s31+$0x90B0]  }
0x85: {  	v1 =	vadd.f32 v14, v1;
	v14 =	vmul.f32 v11, v11;
	v9 =	vadd.f32 v22, v9;
	v31 =	vld [tilespmem:s31+$0x90F0]  }
0x86: {  	v12 =	vadd.f32 v12, v0;
	v11 =	vadd.f32 v16, v7;
	v16 =	vld [tilespmem:s31+$0x9090]  }
0x87: {  	v0 =	vadd.f32 v8, v1;
	v7 =	vadd.f32 v14, v17;
	v15 =	vld [tilespmem:s31+$0xB0A0]  }
0x88: {  	v1 =	vadd.f32 v10, v12;
	v12 =	vadd.f32 v6, v9;
	v27 =	vld [tilespmem:s31+$0x90A0];
	v6 =	vshll.u32 v18, $0x10  }
0x89: {  	v17 =	vld [tilespmem:s31+$0xB080];
	v8 =	vshll.u32 v24, $0x10;
	v9 =	vshll.u32 v21, $0x10;
	v10 =	vshll.u32 v20, $0x10  }
0x8a: {  	v32 =	vshll.u32 v30, $0x10;
	v14 =	vshll.u32 v5, $0x10;
	v6 =	vsub.f32 v8, v6  }
0x8b: {  	v28 =	vshll.u32 v19, $0x10;
	v8 =	vsub.f32 v10, v9;
	v9 =	vsub.f32 v20, v21  }
0x8c: {  	v22 =	vshll.u32 v16, $0x10;
	v29 =	vshll.u32 v23, $0x10;
	v25 =	vshll.u32 v15, $0x10;
	v20 =	vld [tilespmem:s31+$0xB090]  }
0x8d: {  	v33 =	vshll.u32 v31, $0x10;
	v26 =	vshll.u32 v27, $0x10;
	v21 =	vld [tilespmem:s31+$0xB0E0];
	v10 =	vmul.f32 v9, v9  }
0x8e: {  	v9 =	vsub.f32 v24, v18;
	v18 =	vshll.u32 v13, $0x10;
	v24 =	vshll.u32 v17, $0x10  }
0x8f: {  	v28 =	vsub.f32 v29, v28;
	v6 =	vmul.f32 v6, v6;
	v24 =	vsub.f32 v18, v24  }
0x90: {  	v8 =	vmul.f32 v8, v8;
	v18 =	vsub.f32 v27, v15;
	v27 =	vsub.f32 v23, v19  }
0x91: {  	v19 =	vsub.f32 v31, v30;
	v9 =	vmul.f32 v9, v9;
	v15 =	vmul.f32 v24, v24  }
0x92: {  	s21 =	simm.s32 $0x200;
	v29 =	vshll.u32 v20, $0x10;
	v23 =	vshll.u32 v21, $0x10;
	v24 =	vsub.f32 v33, v32  }
.LBB2_7:
0x93: {  	s22 =	sshra.s32 s21, $0x2;
	p0 =	sne.s32 s21, $0x7E00;
	s21 =	sadd.s32 $0x200, s21;
	v13 =	vsub.f32 v13, v17;
	v17 =	vsub.f32 v26, v25;
	v25 =	vmul.f32 v28, v28  }
0x94: {  	v22 =	vsub.f32 v22, v29;
	v16 =	vsub.f32 v16, v20;
	v20 =	vmul.f32 v27, v27;
	v26 =	vld [tilespmem:s22+$0xB0D0]  }
0x95: {  	v5 =	vsub.f32 v5, v21;
	v27 =	vld [tilespmem:s22+$0xB0C0];
	v13 =	vmul.f32 v13, v13;
	v3 =	vadd.f32 v25, v3  }
0x96: {  	v14 =	vsub.f32 v14, v23;
	v23 =	vmul.f32 v24, v24;
	v22 =	vmul.f32 v22, v22;
	v21 =	vld [tilespmem:s22+$0x90D0]  }
0x97: {  	v11 =	vadd.f32 v20, v11;
	v20 =	vmul.f32 v5, v5;
	v24 =	vld [tilespmem:s22+$0x90C0];
	v2 =	vadd.f32 v13, v2  }
0x98: {  	v14 =	vmul.f32 v14, v14;
	v13 =	vmul.f32 v17, v17;
	v3 =	vadd.f32 v23, v3;
	v30 =	vld [tilespmem:s22+$0xB0F0]  }
0x99: {  	v18 =	vmul.f32 v18, v18;
	v12 =	vadd.f32 v22, v12;
	v17 =	vshll.u32 v26, $0x10;
	v5 =	vld [tilespmem:s22+$0x90E0]  }
0x9a: {  	v4 =	vadd.f32 v13, v4;
	v2 =	vadd.f32 v10, v2;
	v10 =	vmul.f32 v19, v19;
	v23 =	vld [tilespmem:s22+$0xB0B0]  }
0x9b: {  	v7 =	vadd.f32 v18, v7;
	v19 =	vshll.u32 v27, $0x10;
	v13 =	vld [tilespmem:s22+$0x9080];
	v22 =	vshll.u32 v21, $0x10  }
0x9c: {  	v25 =	vmul.f32 v16, v16;
	v31 =	vld [tilespmem:s22+$0x90B0];
	v18 =	vshll.u32 v24, $0x10;
	v22 =	vsub.f32 v22, v17  }
0x9d: {  	v4 =	vadd.f32 v14, v4;
	v18 =	vsub.f32 v18, v19;
	v19 =	vld [tilespmem:s22+$0x90F0];
	v32 =	vshll.u32 v30, $0x10  }
0x9e: {  	v0 =	vadd.f32 v15, v0;
	v24 =	vsub.f32 v24, v27;
	v16 =	vld [tilespmem:s22+$0x9090];
	v14 =	vshll.u32 v5, $0x10  }
0x9f: {  	v1 =	vadd.f32 v25, v1;
	v11 =	vadd.f32 v10, v11;
	v15 =	vmul.f32 v22, v22;
	v17 =	vld [tilespmem:s22+$0xB080]  }
0xa0: {  	v0 =	vadd.f32 v8, v0;
	v7 =	vadd.f32 v20, v7;
	v10 =	vmul.f32 v24, v24;
	v27 =	vld [tilespmem:s22+$0xB0A0]  }
0xa1: {  	v1 =	vadd.f32 v9, v1;
	v28 =	vshll.u32 v23, $0x10;
	v8 =	vmul.f32 v18, v18;
	v24 =	vld [tilespmem:s22+$0x90A0]  }
0xa2: {  	v12 =	vadd.f32 v6, v12;
	v9 =	vsub.f32 v21, v26;
	v18 =	vshll.u32 v13, $0x10;
	v6 =	vmovc v15;
	v20 =	vld [tilespmem:s22+$0xB090]  }
0xa3: {  	v22 =	vshll.u32 v16, $0x10;
	v21 =	vld [tilespmem:s22+$0xB0E0]  }
.Ltmp2:
0xa4: {  	v9 =	vmul.f32 v9, v9;
	v29 =	vshll.u32 v31, $0x10;
	v15 =	vshll.u32 v17, $0x10;
	(pc) =	sbr.rel @p0 .LBB2_7-.Ltmp2, $4  }
0xa5: {  	v33 =	vshll.u32 v19, $0x10;
	v15 =	vsub.f32 v18, v15;
	v25 =	vshll.u32 v27, $0x10  }
0xa6: {  	v28 =	vsub.f32 v29, v28;
	v26 =	vshll.u32 v24, $0x10;
	v18 =	vsub.f32 v24, v27  }
0xa7: {  	v27 =	vsub.f32 v31, v23;
	v15 =	vmul.f32 v15, v15;
	v29 =	vshll.u32 v20, $0x10  }
0xa8: {  	v19 =	vsub.f32 v19, v30;
	v24 =	vsub.f32 v33, v32;
	v23 =	vshll.u32 v21, $0x10  }
0xa9: {  	v13 =	vsub.f32 v13, v17;
	v55 =	vsub.f32 v26, v25  }
0xaa: {  	v56 =	vmul.f32 v28, v28;
	v22 =	vsub.f32 v22, v29;
	v16 =	vsub.f32 v16, v20  }
0xab: {  	v57 =	vmul.f32 v27, v27;
	v21 =	vsub.f32 v5, v21;
	v14 =	vsub.f32 v14, v23  }
0xac: {  	v60 =	vmul.f32 v18, v18;
	v0 =	vadd.f32 v15, v0;
	v58 =	vmul.f32 v24, v24  }
0xad: {  	v13 =	vmul.f32 v13, v13;
	v3 =	vadd.f32 v56, v3;
	v5 =	vmul.f32 v22, v22  }
0xae: {  	s20 =	sadd.s32 $0x1, s20;
	v11 =	vadd.f32 v57, v11;
	v59 =	vmul.f32 v55, v55;
	v61 =	vadd.f32 v60, v7  }
0xaf: {  	p0 =	sne.s32 s20, $0x28;
	v7 =	vmul.f32 v16, v16;
	v2 =	vadd.f32 v13, v2;
	v3 =	vadd.f32 v58, v3  }
.Ltmp3:
0xb0: {  	v14 =	vmul.f32 v14, v14;
	v12 =	vadd.f32 v5, v12;
	v4 =	vadd.f32 v59, v4;
	(pc) =	sbr.rel @p0 .LBB2_4-.Ltmp3, $4  }
0xb1: {  	v62 =	vmul.f32 v21, v21;
	v63 =	vadd.f32 v7, v1;
	v1 =	vadd.f32 v8, v0  }
0xb2: {  	v5 =	vadd.f32 v10, v2;
	v10 =	vmul.f32 v19, v19;
	v2 =	vadd.f32 v14, v4  }
0xb3: {  	v4 =	vadd.f32 v62, v61;
	v0 =	vadd.f32 v9, v63  }
0xb4: {  	v9 =	vadd.f32 v6, v12;
	v7 =	vadd.f32 v10, v11  }
0xb5: {  	[tilespmem:$0x5000] =	vst v1  }
0xb6: {  	[tilespmem:$0x5010] =	vst v5  }
0xb7: {  	[tilespmem:$0x5030] =	vst v0  }
0xb8: {  	[tilespmem:$0x5040] =	vst v2  }
0xb9: {  	[tilespmem:$0x5050] =	vst v4  }
0xba: {  	[tilespmem:$0x5060] =	vst v3;
	s19 =	sadd.s32 $0x1, s19  }
0xbb: {  	[tilespmem:$0x5020] =	vst v9;
	p0 =	sne.s32 s19, s6  }
.Ltmp4:
0xbc: {  	[tilespmem:$0x5070] =	vst v7;
	(pc) =	sbr.rel @p0 .LBB2_1-.Ltmp4, $4  }
0xbd: {  	[hbm4b:s5+s2] =	stream.linear.scatter [tilespmem:s18], [sflag:$0x5], $0x80, $0x38;
	[tilespmem:$0xD080] =	vst v63  }
0xbe: {  	_ =	swait.ge [sflag:s7], $0x80  }
0xbf: {  	[sflag:s7] =	ssyncset.done $0x0  }
0xc0: {  	[sflag:s7] =	ssyncadd.s32 $0xFFFFFF80  }
0xc1: {  	_ =	sfence.sel $0x180000  }
0xc2: {  	[bflag:$0x0] =	sbarrier.arrive $0xFFFF  }
0xc3: {  	p0 =	sne.s32 s0, $0x0;
	_ =	strace $0x9000004A  }
0xc4: {  	s0 =	sadd.s32 @!p0 $0x100000, s1;
	[bflag:$0x2] =	sbarrier.arrive $0xFFFF  }
0xc5: {  	[sflag:s0] =	ssyncadd.tile.s32 @!p0 $0x1;
	_ =	shalt  }
.Lfunc_end2:
_tile_overlayer_lowered:
.L_overlay_start_2:
0xc6: {  	(tag) =	ssettag $0x2  }
0xc7: {  	s0 =	rddreg [dreg:$0x0];
	s2 =	stileid.u32  }
0xc8: {  	s1 =	rddreg [dreg:$0x1];
	p0 =	sne.s32 s2, $0x0  }
0xc9: {  	s3 =	rddreg [dreg:$0x2];
	[bflag:$0x3] =	sbarrier.arrive $0xFFFF;
	s2 =	simm.s32 @!p0 $0x1C05  }
0xca: {  	[timem:s3], [sflag:s2] =	dma.local @!p0 [hbm:s0], s1  }
0xcb: {  	s0 =	simm.s32 @!p0 $0x5  }
0xcc: {  	_ =	swait.ge @!p0 [sflag:s0], s1  }
0xcd: {  	s1 =	ssub.s32 @!p0 $0x0, s1;
	[sflag:s0] =	ssyncset.done @!p0 $0x0  }
0xce: {  	[sflag:s0] =	ssyncadd.s32 @!p0 s1  }
0xcf: {  	[bflag:$0x3] =	sbarrier.arrive $0xFFFF  }
0xd0: {  	_ =	shalt  }

</sc_bundles>
